<compile_context>
chip_gen: v7x
topology: tpu7x:2x2x1
jax: 0.10.2.dev20260603
libtpu: 0.0.44.dev20260713+nightly
codegen_flags: <defaults>
</compile_context>

<pallas_src>
import functools

import numpy as np

import jax
import jax.numpy as jnp
from jax import lax
from jax.experimental import pallas as pl
from jax.experimental.pallas import tpu as pltpu
from jax.experimental.pallas import tpu_sc as plsc

_NC = 2
_NS = 16
_NW = _NC * _NS
_B = 128


@functools.lru_cache(maxsize=None)
def _build_deg(n, eb, npad):
    bpw = eb // _NW
    rpt = npad // _NS
    k = 16

    mesh = plsc.VectorSubcoreMesh(core_axis_name="c", subcore_axis_name="s")

    @functools.partial(
        pl.kernel,
        out_type=jax.ShapeDtypeStruct((_NC * npad,), jnp.float32),
        mesh=mesh,
        scratch_types=[
            pltpu.VMEM_SHARED((npad,), jnp.float32),
            pltpu.VMEM((2, bpw, _B), jnp.int32),
            pltpu.VMEM((_B,), jnp.float32),
            pltpu.SemaphoreType.DMA,
        ],
    )
    def deg_kernel(ei_hbm, z_hbm, deg_hbm, deg_sh, idx3, ones_v, sem):
        c = lax.axis_index("c")
        s = lax.axis_index("s")
        wid = s * _NC + c
        ibase = pl.multiple_of(wid * bpw, 8)
        zbase = pl.multiple_of(s * rpt, rpt)

        one = jnp.ones((16,), jnp.float32)
        for i in range(_B // 16):
            ones_v[pl.ds(i * 16, 16)] = one
        pltpu.sync_copy(ei_hbm.at[:, pl.ds(ibase, bpw), :], idx3)
        pltpu.sync_copy(z_hbm.at[pl.ds(0, rpt)], deg_sh.at[pl.ds(zbase, rpt)])
        plsc.subcore_barrier()

        def grp(g, carry):
            for j in range(k):
                pltpu.async_copy(
                    ones_v, deg_sh.at[idx3.at[0, g * k + j]], sem, add=True)
            for j in range(k):
                pltpu.make_async_copy(
                    ones_v, deg_sh.at[idx3.at[0, g * k + j]], sem).wait()
            return carry

        lax.fori_loop(0, bpw // k, grp, 0)

        plsc.subcore_barrier()
        pltpu.sync_copy(deg_sh.at[pl.ds(zbase, rpt)],
                        deg_hbm.at[pl.ds(pl.multiple_of(c * npad + s * rpt, rpt), rpt)])

    return deg_kernel


@functools.lru_cache(maxsize=None)
def _build_agg(n, d, eb, npadr):
    bpw = eb // _NW
    npr = npadr // _NS

    mesh = plsc.VectorSubcoreMesh(core_axis_name="c", subcore_axis_name="s")

    nsec = 2
    sps = bpw // nsec

    @functools.partial(
        pl.kernel,
        out_type=jax.ShapeDtypeStruct((_NC, npadr, d), jnp.float32),
        mesh=mesh,
        scratch_types=[
            pltpu.VMEM_SHARED((npadr, d), jnp.float32),
            pltpu.VMEM((2, sps, _B), jnp.int32),
            pltpu.VMEM((_B, d), jnp.float32),
            pltpu.VMEM((_B, d), jnp.float32),
            pltpu.SemaphoreType.DMA,
            pltpu.SemaphoreType.DMA,
        ],
    )
    def agg_kernel(h_hbm, ei_hbm, agg_hbm, agg_sh, idx3, r0, r1,
                   sem0, sem1):
        c = lax.axis_index("c")
        s = lax.axis_index("s")
        wid = s * _NC + c
        ibase = pl.multiple_of(wid * bpw, 8)
        rbase = pl.multiple_of(s * npr, 8)
        rbuf = (r0, r1)
        sems = (sem0, sem1)

        pltpu.sync_copy(ei_hbm.at[:, pl.ds(ibase, sps), :], idx3)
        pltpu.sync_copy(h_hbm.at[pl.ds(npadr, npr)],
                        agg_sh.at[pl.ds(rbase, npr)])
        plsc.subcore_barrier()

        for sec in range(nsec):
            sbase = pl.multiple_of(ibase + sec * sps, 8)
            if sec > 0:
                pltpu.sync_copy(ei_hbm.at[:, pl.ds(sbase, sps), :], idx3)
            pltpu.async_copy(h_hbm.at[idx3.at[0, 0]], r0, sem0)
            pltpu.async_copy(h_hbm.at[idx3.at[0, 1]], r1, sem1)

            def pair(t, carry):
                for j in range(2):
                    i = 2 * t + j
                    pltpu.make_async_copy(
                        h_hbm.at[idx3.at[0, i]], rbuf[j], sems[j]).wait()
                    pltpu.sync_copy(rbuf[j], agg_sh.at[idx3.at[1, i]],
                                    add=True)
                    pltpu.async_copy(
                        h_hbm.at[idx3.at[0, i + 2]], rbuf[j], sems[j])
                return carry

            lax.fori_loop(0, sps // 2 - 1, pair, 0)
            for j in range(2):
                i = sps - 2 + j
                pltpu.make_async_copy(
                    h_hbm.at[idx3.at[0, i]], rbuf[j], sems[j]).wait()
                pltpu.sync_copy(rbuf[j], agg_sh.at[idx3.at[1, i]], add=True)

        plsc.subcore_barrier()
        pltpu.sync_copy(agg_sh.at[pl.ds(rbase, npr)],
                        agg_hbm.at[c, pl.ds(rbase, npr)])

    return agg_kernel


def _make_mm_body(n, hz, npad):
    def _mm_body(feat_ref, w_ref, deg_ref, h_ref):
        deg = deg_ref[:n] + deg_ref[npad:npad + n]
        norm = lax.rsqrt(jnp.maximum(deg, 1.0))[:, None]
        h = lax.dot_general(feat_ref[...], w_ref[...],
                            (((1,), (0,)), ((), ())),
                            precision=lax.Precision.DEFAULT,
                            preferred_element_type=jnp.float32)
        h_ref[:n] = h * norm
        h_ref[n:] = jnp.zeros((hz - n, h.shape[1]), jnp.float32)
    return _mm_body


def _make_fin_body(n, npad):
    def _fin_body(aggp_ref, deg_ref, b_ref, out_ref):
        agg = aggp_ref[0, :n] + aggp_ref[1, :n]
        deg = deg_ref[:n] + deg_ref[npad:npad + n]
        norm = lax.rsqrt(jnp.maximum(deg, 1.0))[:, None]
        out_ref[...] = agg * norm + b_ref[...]
    return _fin_body


def kernel(feat, edge_index, weight, bias):
    n, d = feat.shape
    e = edge_index.shape[1]
    npad = ((n + _NS * 16 - 1) // (_NS * 16)) * (_NS * 16)
    npadr = _NS * (((n + _NS * 8 - 1) // (_NS * 8)) * 8)

    epb = _NW * _B * 8
    epad = ((e + epb - 1) // epb) * epb
    assert e % _B == 0
    if epad > e:
        pr = np.arange(epad - e, dtype=np.int32) % (npadr - n) + n
        pad3 = np.broadcast_to(pr, (2, epad - e)).reshape(2, (epad - e) // _B, _B)
        ei3 = jnp.concatenate(
            [edge_index.reshape(2, e // _B, _B), jnp.asarray(pad3)], axis=1)
    else:
        ei3 = edge_index.reshape(2, e // _B, _B)
    eb = epad // _B

    zeros1_hbm = np.zeros((npad,), np.float32)

    degf = _build_deg(n, eb, npad)(ei3, zeros1_hbm)

    hz = npadr + 640
    h = pl.pallas_call(
        _make_mm_body(n, hz, npad),
        out_shape=jax.ShapeDtypeStruct((hz, d), jnp.float32),
    )(feat, weight, degf)

    aggp = _build_agg(n, d, eb, npadr)(h, ei3)

    out = pl.pallas_call(
        _make_fin_body(n, npad),
        out_shape=jax.ShapeDtypeStruct((n, d), jnp.float32),
    )(aggp, degf, bias.reshape(1, d))
    return out

# --- scband reference (transcript-rebuilt; emitter-appended) ---
"""Pipeline reference for scband-graph-conv-9706626090092 (READ-ONLY COPY).

The authoritative reference and input builder live on the scoring server;
editing this copy changes nothing except your own understanding.
"""

import jax, jax.numpy as jnp
import numpy as np

N_NODES = 10000
N_EDGES = 320000
IN_FEATS = 128
OUT_FEATS = 128


def setup_inputs(seed: int = 0) -> dict:
    key = jax.random.key(seed)
    k1, k2, k3 = jax.random.split(key, 3)
    feat = jax.random.normal(k1, (N_NODES, IN_FEATS), dtype=jnp.float32)
    edge_index = jax.random.randint(k2, (2, N_EDGES), 0, N_NODES, dtype=jnp.int32)
    # xavier_uniform init for weight [in_feats, out_feats]
    limit = float(np.sqrt(6.0 / (IN_FEATS + OUT_FEATS)))
    weight = jax.random.uniform(k3, (IN_FEATS, OUT_FEATS), dtype=jnp.float32, minval=-limit, maxval=limit)
    bias = jnp.zeros((OUT_FEATS,), dtype=jnp.float32)
    return {"feat": feat, "edge_index": edge_index, "weight": weight, "bias": bias}


def reference(feat, edge_index, weight, bias):
    # GraphConv with norm='both' (faithful to the given code: out_degrees
    # used for both src and dst normalization).
    src = edge_index[0]
    dst = edge_index[1]
    n = feat.shape[0]
    # out-degree per node, clamped to min 1
    deg = jnp.zeros((n,), dtype=jnp.float32).at[src].add(1.0)
    deg = jnp.clip(deg, 1.0)
    norm = jnp.power(deg, -0.5)
    # feat = feat @ W, then normalize by src norm
    h = jnp.matmul(feat, weight)
    h = h * norm[:, None]
    # message passing: copy_src + sum at dst (scatter-add)
    agg = jnp.zeros((n, weight.shape[1]), dtype=h.dtype).at[dst].add(h[src])
    # dst normalization + bias
    rst = agg * norm[:, None]
    rst = rst + bias
    return rst

if __name__ == "__main__":
    import jax
    _d = setup_inputs()
    print(jax.jit(kernel)(*tuple(_d.values())))

</pallas_src>

<mosaic_0001>
#map = affine_map<(d0, d1) -> (0, 0)>
#map1 = affine_map<(d0, d1) -> (0, 0, 0)>
module attributes {stable_mosaic.version = 14 : i64} {
  func.func @agg_kernel(%arg0: i32, %arg1: i32, %arg2: memref<10752x128xf32, #tpu.memory_space<hbm>>, %arg3: memref<2x2560x128xi32, #tpu.memory_space<hbm>>, %arg4: memref<2x10112x128xf32, #tpu.memory_space<hbm>>, %arg5: memref<10112x128xf32, #tpu.memory_space<vmem_shared>>, %arg6: memref<2x40x128xi32, #tpu.memory_space<vmem>>, %arg7: memref<128x128xf32, #tpu.memory_space<vmem>>, %arg8: memref<128x128xf32, #tpu.memory_space<vmem>>, %arg9: memref<!tpu.dma_semaphore, #tpu.memory_space<semaphore_mem>>, %arg10: memref<!tpu.dma_semaphore, #tpu.memory_space<semaphore_mem>>) attributes {dimension_semantics = [#tpu.dimension_semantics<core_parallel>, #tpu.dimension_semantics<subcore_parallel>], iteration_bounds = array<i64: 2, 16>, scalar_prefetch = 0 : i64, scratch_operands = 6 : i64, tpu.core_type = #tpu.core_type<sc_vector_subcore>, window_params = [{transform_indices = #map}, {transform_indices = #map1}, {transform_indices = #map1}]} {
    %mul3A = arith.constant 2 : i32
    %mul3A_0 = arith.muli %arg1, %mul3A : i32
    %add3A = arith.addi %mul3A_0, %arg0 : i32
    %mul3A_1 = arith.constant 80 : i32
    %mul3A_2 = arith.muli %add3A, %mul3A_1 : i32
    %multiple_of3A = tpu.assume_multiple %mul3A_2, 8 : i32
    %mul3A_3 = arith.constant 632 : i32
    %mul3A_4 = arith.muli %arg1, %mul3A_3 : i32
    %multiple_of3A_5 = tpu.assume_multiple %mul3A_4, 8 : i32
    "tpu.region"() ({
      %run_scoped3A_93 = tpu.sem_alloc : memref<!tpu.dma_semaphore, #tpu.memory_space<semaphore_mem>>
      %dma_start3A_94 = arith.constant 0 : i32
      %dma_start3A_95 = arith.constant 0 : i32
      %dma_start3A_96 = tpu.memref_slice %arg3[%dma_start3A_94, %multiple_of3A, %dma_start3A_95] : memref<2x2560x128xi32, #tpu.memory_space<hbm>> -> memref<2x40x128xi32, #tpu.memory_space<hbm>>
      %dma_start3A_97 = arith.constant 0 : i32
      %dma_start3A_98 = arith.constant 0 : i32
      %dma_start3A_99 = tpu.memref_slice %arg3[%dma_start3A_97, %multiple_of3A, %dma_start3A_98] : memref<2x2560x128xi32, #tpu.memory_space<hbm>> -> memref<2x40x128xi32, #tpu.memory_space<hbm>>
      tpu.enqueue_dma source(%dma_start3A_99 : memref<2x40x128xi32, #tpu.memory_space<hbm>>) target(%arg6 : memref<2x40x128xi32, #tpu.memory_space<vmem>>) target_semaphore(%run_scoped3A_93 : memref<!tpu.dma_semaphore, #tpu.memory_space<semaphore_mem>>)
      %dma_wait3A_100 = arith.constant 0 : i32
      %dma_wait3A_101 = arith.constant 0 : i32
      %dma_wait3A_102 = tpu.memref_slice %arg3[%dma_wait3A_100, %multiple_of3A, %dma_wait3A_101] : memref<2x2560x128xi32, #tpu.memory_space<hbm>> -> memref<2x40x128xi32, #tpu.memory_space<hbm>>
      %dma_wait3A_103 = arith.constant 0 : i32
      %dma_wait3A_104 = arith.constant 0 : i32
      %dma_wait3A_105 = tpu.memref_slice %arg3[%dma_wait3A_103, %multiple_of3A, %dma_wait3A_104] : memref<2x2560x128xi32, #tpu.memory_space<hbm>> -> memref<2x40x128xi32, #tpu.memory_space<hbm>>
      tpu.wait_dma2 semaphore(%run_scoped3A_93 : memref<!tpu.dma_semaphore, #tpu.memory_space<semaphore_mem>>) src(%dma_wait3A_105 : memref<2x40x128xi32, #tpu.memory_space<hbm>>) dst(%arg6 : memref<2x40x128xi32, #tpu.memory_space<vmem>>)
      tpu.yield
    }) : () -> ()
    "tpu.region"() ({
      %run_scoped3A_93 = tpu.sem_alloc : memref<!tpu.dma_semaphore, #tpu.memory_space<semaphore_mem>>
      %dma_start3A_94 = arith.constant 0 : i32
      %dma_start3A_95 = tpu.memref_slice %arg5[%multiple_of3A_5, %dma_start3A_94] : memref<10112x128xf32, #tpu.memory_space<vmem_shared>> -> memref<632x128xf32, #tpu.memory_space<vmem_shared>>
      %dma_start3A_96 = arith.constant 10112 : i32
      %dma_start3A_97 = arith.constant 0 : i32
      %dma_start3A_98 = tpu.memref_slice %arg2[%dma_start3A_96, %dma_start3A_97] : memref<10752x128xf32, #tpu.memory_space<hbm>> -> memref<632x128xf32, #tpu.memory_space<hbm>>
      tpu.enqueue_dma source(%dma_start3A_98 : memref<632x128xf32, #tpu.memory_space<hbm>>) target(%dma_start3A_95 : memref<632x128xf32, #tpu.memory_space<vmem_shared>>) target_semaphore(%run_scoped3A_93 : memref<!tpu.dma_semaphore, #tpu.memory_space<semaphore_mem>>)
      %dma_wait3A_99 = arith.constant 0 : i32
      %dma_wait3A_100 = tpu.memref_slice %arg5[%multiple_of3A_5, %dma_wait3A_99] : memref<10112x128xf32, #tpu.memory_space<vmem_shared>> -> memref<632x128xf32, #tpu.memory_space<vmem_shared>>
      %dma_wait3A_101 = arith.constant 10112 : i32
      %dma_wait3A_102 = arith.constant 0 : i32
      %dma_wait3A_103 = tpu.memref_slice %arg2[%dma_wait3A_101, %dma_wait3A_102] : memref<10752x128xf32, #tpu.memory_space<hbm>> -> memref<632x128xf32, #tpu.memory_space<hbm>>
      tpu.wait_dma2 semaphore(%run_scoped3A_93 : memref<!tpu.dma_semaphore, #tpu.memory_space<semaphore_mem>>) src(%dma_wait3A_103 : memref<632x128xf32, #tpu.memory_space<hbm>>) dst(%dma_wait3A_100 : memref<632x128xf32, #tpu.memory_space<vmem_shared>>)
      tpu.yield
    }) : () -> ()
    %barrier3A = arith.constant 0 : index
    tpu.barrier barrier_id(%barrier3A)
    %add3A_6 = arith.constant 0 : i32
    %add3A_7 = arith.addi %multiple_of3A, %add3A_6 : i32
    %multiple_of3A_8 = tpu.assume_multiple %add3A_7, 8 : i32
    %dma_start3A = arith.constant 0 : i32
    %dma_start3A_9 = arith.constant 0 : i32
    %dma_start3A_10 = arith.constant 0 : i32
    %dma_start3A_11 = tpu.memref_slice %arg6[%dma_start3A, %dma_start3A_9, %dma_start3A_10] : memref<2x40x128xi32, #tpu.memory_space<vmem>> -> memref<1x1x128xi32, #tpu.memory_space<vmem>>
    %dma_start3A_12 = tpu.memref_squeeze %dma_start3A_11 : memref<1x1x128xi32, #tpu.memory_space<vmem>> -> memref<128xi32, #tpu.memory_space<vmem>>
    %dma_start3A_13 = arith.constant 0 : i32
    %dma_start3A_14 = arith.constant 0 : i32
    %dma_start3A_15 = tpu.memref_slice %arg2[%dma_start3A_13, %dma_start3A_14] : memref<10752x128xf32, #tpu.memory_space<hbm>> -> memref<10752x128xf32, #tpu.memory_space<hbm>>
    tpu.enqueue_indirect_dma source(%dma_start3A_15 : memref<10752x128xf32, #tpu.memory_space<hbm>>) target(%arg7 : memref<128x128xf32, #tpu.memory_space<vmem>>) offsets(%dma_start3A_12 : memref<128xi32, #tpu.memory_space<vmem>>) semaphore(%arg9 : memref<!tpu.dma_semaphore, #tpu.memory_space<semaphore_mem>>)
    %dma_start3A_16 = arith.constant 0 : i32
    %dma_start3A_17 = arith.constant 1 : i32
    %dma_start3A_18 = arith.constant 0 : i32
    %dma_start3A_19 = tpu.memref_slice %arg6[%dma_start3A_16, %dma_start3A_17, %dma_start3A_18] : memref<2x40x128xi32, #tpu.memory_space<vmem>> -> memref<1x1x128xi32, #tpu.memory_space<vmem>>
    %dma_start3A_20 = tpu.memref_squeeze %dma_start3A_19 : memref<1x1x128xi32, #tpu.memory_space<vmem>> -> memref<128xi32, #tpu.memory_space<vmem>>
    %dma_start3A_21 = arith.constant 0 : i32
    %dma_start3A_22 = arith.constant 0 : i32
    %dma_start3A_23 = tpu.memref_slice %arg2[%dma_start3A_21, %dma_start3A_22] : memref<10752x128xf32, #tpu.memory_space<hbm>> -> memref<10752x128xf32, #tpu.memory_space<hbm>>
    tpu.enqueue_indirect_dma source(%dma_start3A_23 : memref<10752x128xf32, #tpu.memory_space<hbm>>) target(%arg8 : memref<128x128xf32, #tpu.memory_space<vmem>>) offsets(%dma_start3A_20 : memref<128xi32, #tpu.memory_space<vmem>>) semaphore(%arg10 : memref<!tpu.dma_semaphore, #tpu.memory_space<semaphore_mem>>)
    %scan3A = arith.constant 0 : i32
    %scan3A_24 = arith.constant 0 : i32
    %scan3A_25 = arith.constant 19 : i32
    %scan3A_26 = arith.addi %scan3A_24, %scan3A_25 : i32
    %scan3A_27 = arith.constant 1 : i32
    scf.for %scan3A_93 = %scan3A_24 to %scan3A_26 step %scan3A_27  : i32 {
      %mul3A_94 = arith.constant 2 : i32
      %mul3A_95 = arith.muli %mul3A_94, %scan3A_93 : i32
      %add3A_96 = arith.constant 0 : i32
      %add3A_97 = arith.addi %mul3A_95, %add3A_96 : i32
      %dma_wait3A_98 = arith.constant 0 : i32
      %dma_wait3A_99 = arith.constant 0 : i32
      %dma_wait3A_100 = tpu.memref_slice %arg6[%dma_wait3A_98, %add3A_97, %dma_wait3A_99] : memref<2x40x128xi32, #tpu.memory_space<vmem>> -> memref<1x1x128xi32, #tpu.memory_space<vmem>>
      %dma_wait3A_101 = tpu.memref_squeeze %dma_wait3A_100 : memref<1x1x128xi32, #tpu.memory_space<vmem>> -> memref<128xi32, #tpu.memory_space<vmem>>
      %dma_wait3A_102 = arith.constant 0 : i32
      %dma_wait3A_103 = arith.constant 0 : i32
      %dma_wait3A_104 = tpu.memref_slice %arg2[%dma_wait3A_102, %dma_wait3A_103] : memref<10752x128xf32, #tpu.memory_space<hbm>> -> memref<10752x128xf32, #tpu.memory_space<hbm>>
      tpu.wait_indirect_dma semaphore(%arg9 : memref<!tpu.dma_semaphore, #tpu.memory_space<semaphore_mem>>) src(%dma_wait3A_104 : memref<10752x128xf32, #tpu.memory_space<hbm>>) dst(%arg7 : memref<128x128xf32, #tpu.memory_space<vmem>>)
      %run_scoped3A_105 = arith.constant 1 : i32
      "tpu.region"() ({
        %run_scoped3A_136 = tpu.sem_alloc : memref<!tpu.dma_semaphore, #tpu.memory_space<semaphore_mem>>
        %dma_start3A_137 = arith.constant 0 : i32
        %dma_start3A_138 = tpu.memref_slice %arg6[%run_scoped3A_105, %add3A_97, %dma_start3A_137] : memref<2x40x128xi32, #tpu.memory_space<vmem>> -> memref<1x1x128xi32, #tpu.memory_space<vmem>>
        %dma_start3A_139 = tpu.memref_squeeze %dma_start3A_138 : memref<1x1x128xi32, #tpu.memory_space<vmem>> -> memref<128xi32, #tpu.memory_space<vmem>>
        %dma_start3A_140 = arith.constant 0 : i32
        %dma_start3A_141 = arith.constant 0 : i32
        %dma_start3A_142 = tpu.memref_slice %arg5[%dma_start3A_140, %dma_start3A_141] : memref<10112x128xf32, #tpu.memory_space<vmem_shared>> -> memref<10112x128xf32, #tpu.memory_space<vmem_shared>>
        tpu.enqueue_indirect_dma source(%arg7 : memref<128x128xf32, #tpu.memory_space<vmem>>) target(%dma_start3A_142 : memref<10112x128xf32, #tpu.memory_space<vmem_shared>>) offsets(%dma_start3A_139 : memref<128xi32, #tpu.memory_space<vmem>>) semaphore(%run_scoped3A_136 : memref<!tpu.dma_semaphore, #tpu.memory_space<semaphore_mem>>) {add = true}
        %dma_wait3A_143 = arith.constant 0 : i32
        %dma_wait3A_144 = tpu.memref_slice %arg6[%run_scoped3A_105, %add3A_97, %dma_wait3A_143] : memref<2x40x128xi32, #tpu.memory_space<vmem>> -> memref<1x1x128xi32, #tpu.memory_space<vmem>>
        %dma_wait3A_145 = tpu.memref_squeeze %dma_wait3A_144 : memref<1x1x128xi32, #tpu.memory_space<vmem>> -> memref<128xi32, #tpu.memory_space<vmem>>
        %dma_wait3A_146 = arith.constant 0 : i32
        %dma_wait3A_147 = arith.constant 0 : i32
        %dma_wait3A_148 = tpu.memref_slice %arg5[%dma_wait3A_146, %dma_wait3A_147] : memref<10112x128xf32, #tpu.memory_space<vmem_shared>> -> memref<10112x128xf32, #tpu.memory_space<vmem_shared>>
        tpu.wait_indirect_dma semaphore(%run_scoped3A_136 : memref<!tpu.dma_semaphore, #tpu.memory_space<semaphore_mem>>) src(%arg7 : memref<128x128xf32, #tpu.memory_space<vmem>>) dst(%dma_wait3A_148 : memref<10112x128xf32, #tpu.memory_space<vmem_shared>>)
        tpu.yield
      }) : () -> ()
      %add3A_106 = arith.constant 2 : i32
      %add3A_107 = arith.addi %add3A_97, %add3A_106 : i32
      %dma_start3A_108 = arith.constant 0 : i32
      %dma_start3A_109 = arith.constant 0 : i32
      %dma_start3A_110 = tpu.memref_slice %arg6[%dma_start3A_108, %add3A_107, %dma_start3A_109] : memref<2x40x128xi32, #tpu.memory_space<vmem>> -> memref<1x1x128xi32, #tpu.memory_space<vmem>>
      %dma_start3A_111 = tpu.memref_squeeze %dma_start3A_110 : memref<1x1x128xi32, #tpu.memory_space<vmem>> -> memref<128xi32, #tpu.memory_space<vmem>>
      %dma_start3A_112 = arith.constant 0 : i32
      %dma_start3A_113 = arith.constant 0 : i32
      %dma_start3A_114 = tpu.memref_slice %arg2[%dma_start3A_112, %dma_start3A_113] : memref<10752x128xf32, #tpu.memory_space<hbm>> -> memref<10752x128xf32, #tpu.memory_space<hbm>>
      tpu.enqueue_indirect_dma source(%dma_start3A_114 : memref<10752x128xf32, #tpu.memory_space<hbm>>) target(%arg7 : memref<128x128xf32, #tpu.memory_space<vmem>>) offsets(%dma_start3A_111 : memref<128xi32, #tpu.memory_space<vmem>>) semaphore(%arg9 : memref<!tpu.dma_semaphore, #tpu.memory_space<semaphore_mem>>)
      %mul3A_115 = arith.constant 2 : i32
      %mul3A_116 = arith.muli %mul3A_115, %scan3A_93 : i32
      %add3A_117 = arith.constant 1 : i32
      %add3A_118 = arith.addi %mul3A_116, %add3A_117 : i32
      %dma_wait3A_119 = arith.constant 0 : i32
      %dma_wait3A_120 = arith.constant 0 : i32
      %dma_wait3A_121 = tpu.memref_slice %arg6[%dma_wait3A_119, %add3A_118, %dma_wait3A_120] : memref<2x40x128xi32, #tpu.memory_space<vmem>> -> memref<1x1x128xi32, #tpu.memory_space<vmem>>
      %dma_wait3A_122 = tpu.memref_squeeze %dma_wait3A_121 : memref<1x1x128xi32, #tpu.memory_space<vmem>> -> memref<128xi32, #tpu.memory_space<vmem>>
      %dma_wait3A_123 = arith.constant 0 : i32
      %dma_wait3A_124 = arith.constant 0 : i32
      %dma_wait3A_125 = tpu.memref_slice %arg2[%dma_wait3A_123, %dma_wait3A_124] : memref<10752x128xf32, #tpu.memory_space<hbm>> -> memref<10752x128xf32, #tpu.memory_space<hbm>>
      tpu.wait_indirect_dma semaphore(%arg10 : memref<!tpu.dma_semaphore, #tpu.memory_space<semaphore_mem>>) src(%dma_wait3A_125 : memref<10752x128xf32, #tpu.memory_space<hbm>>) dst(%arg8 : memref<128x128xf32, #tpu.memory_space<vmem>>)
      %run_scoped3A_126 = arith.constant 1 : i32
      "tpu.region"() ({
        %run_scoped3A_136 = tpu.sem_alloc : memref<!tpu.dma_semaphore, #tpu.memory_space<semaphore_mem>>
        %dma_start3A_137 = arith.constant 0 : i32
        %dma_start3A_138 = tpu.memref_slice %arg6[%run_scoped3A_126, %add3A_118, %dma_start3A_137] : memref<2x40x128xi32, #tpu.memory_space<vmem>> -> memref<1x1x128xi32, #tpu.memory_space<vmem>>
        %dma_start3A_139 = tpu.memref_squeeze %dma_start3A_138 : memref<1x1x128xi32, #tpu.memory_space<vmem>> -> memref<128xi32, #tpu.memory_space<vmem>>
        %dma_start3A_140 = arith.constant 0 : i32
        %dma_start3A_141 = arith.constant 0 : i32
        %dma_start3A_142 = tpu.memref_slice %arg5[%dma_start3A_140, %dma_start3A_141] : memref<10112x128xf32, #tpu.memory_space<vmem_shared>> -> memref<10112x128xf32, #tpu.memory_space<vmem_shared>>
        tpu.enqueue_indirect_dma source(%arg8 : memref<128x128xf32, #tpu.memory_space<vmem>>) target(%dma_start3A_142 : memref<10112x128xf32, #tpu.memory_space<vmem_shared>>) offsets(%dma_start3A_139 : memref<128xi32, #tpu.memory_space<vmem>>) semaphore(%run_scoped3A_136 : memref<!tpu.dma_semaphore, #tpu.memory_space<semaphore_mem>>) {add = true}
        %dma_wait3A_143 = arith.constant 0 : i32
        %dma_wait3A_144 = tpu.memref_slice %arg6[%run_scoped3A_126, %add3A_118, %dma_wait3A_143] : memref<2x40x128xi32, #tpu.memory_space<vmem>> -> memref<1x1x128xi32, #tpu.memory_space<vmem>>
        %dma_wait3A_145 = tpu.memref_squeeze %dma_wait3A_144 : memref<1x1x128xi32, #tpu.memory_space<vmem>> -> memref<128xi32, #tpu.memory_space<vmem>>
        %dma_wait3A_146 = arith.constant 0 : i32
        %dma_wait3A_147 = arith.constant 0 : i32
        %dma_wait3A_148 = tpu.memref_slice %arg5[%dma_wait3A_146, %dma_wait3A_147] : memref<10112x128xf32, #tpu.memory_space<vmem_shared>> -> memref<10112x128xf32, #tpu.memory_space<vmem_shared>>
        tpu.wait_indirect_dma semaphore(%run_scoped3A_136 : memref<!tpu.dma_semaphore, #tpu.memory_space<semaphore_mem>>) src(%arg8 : memref<128x128xf32, #tpu.memory_space<vmem>>) dst(%dma_wait3A_148 : memref<10112x128xf32, #tpu.memory_space<vmem_shared>>)
        tpu.yield
      }) : () -> ()
      %add3A_127 = arith.constant 2 : i32
      %add3A_128 = arith.addi %add3A_118, %add3A_127 : i32
      %dma_start3A_129 = arith.constant 0 : i32
      %dma_start3A_130 = arith.constant 0 : i32
      %dma_start3A_131 = tpu.memref_slice %arg6[%dma_start3A_129, %add3A_128, %dma_start3A_130] : memref<2x40x128xi32, #tpu.memory_space<vmem>> -> memref<1x1x128xi32, #tpu.memory_space<vmem>>
      %dma_start3A_132 = tpu.memref_squeeze %dma_start3A_131 : memref<1x1x128xi32, #tpu.memory_space<vmem>> -> memref<128xi32, #tpu.memory_space<vmem>>
      %dma_start3A_133 = arith.constant 0 : i32
      %dma_start3A_134 = arith.constant 0 : i32
      %dma_start3A_135 = tpu.memref_slice %arg2[%dma_start3A_133, %dma_start3A_134] : memref<10752x128xf32, #tpu.memory_space<hbm>> -> memref<10752x128xf32, #tpu.memory_space<hbm>>
      tpu.enqueue_indirect_dma source(%dma_start3A_135 : memref<10752x128xf32, #tpu.memory_space<hbm>>) target(%arg8 : memref<128x128xf32, #tpu.memory_space<vmem>>) offsets(%dma_start3A_132 : memref<128xi32, #tpu.memory_space<vmem>>) semaphore(%arg10 : memref<!tpu.dma_semaphore, #tpu.memory_space<semaphore_mem>>)
    }
    %scan3A_28 = arith.constant 19 : i32
    %dma_wait3A = arith.constant 0 : i32
    %dma_wait3A_29 = arith.constant 38 : i32
    %dma_wait3A_30 = arith.constant 0 : i32
    %dma_wait3A_31 = tpu.memref_slice %arg6[%dma_wait3A, %dma_wait3A_29, %dma_wait3A_30] : memref<2x40x128xi32, #tpu.memory_space<vmem>> -> memref<1x1x128xi32, #tpu.memory_space<vmem>>
    %dma_wait3A_32 = tpu.memref_squeeze %dma_wait3A_31 : memref<1x1x128xi32, #tpu.memory_space<vmem>> -> memref<128xi32, #tpu.memory_space<vmem>>
    %dma_wait3A_33 = arith.constant 0 : i32
    %dma_wait3A_34 = arith.constant 0 : i32
    %dma_wait3A_35 = tpu.memref_slice %arg2[%dma_wait3A_33, %dma_wait3A_34] : memref<10752x128xf32, #tpu.memory_space<hbm>> -> memref<10752x128xf32, #tpu.memory_space<hbm>>
    tpu.wait_indirect_dma semaphore(%arg9 : memref<!tpu.dma_semaphore, #tpu.memory_space<semaphore_mem>>) src(%dma_wait3A_35 : memref<10752x128xf32, #tpu.memory_space<hbm>>) dst(%arg7 : memref<128x128xf32, #tpu.memory_space<vmem>>)
    %run_scoped3A = arith.constant 1 : i32
    %run_scoped3A_36 = arith.constant 38 : i32
    "tpu.region"() ({
      %run_scoped3A_93 = tpu.sem_alloc : memref<!tpu.dma_semaphore, #tpu.memory_space<semaphore_mem>>
      %dma_start3A_94 = arith.constant 0 : i32
      %dma_start3A_95 = tpu.memref_slice %arg6[%run_scoped3A, %run_scoped3A_36, %dma_start3A_94] : memref<2x40x128xi32, #tpu.memory_space<vmem>> -> memref<1x1x128xi32, #tpu.memory_space<vmem>>
      %dma_start3A_96 = tpu.memref_squeeze %dma_start3A_95 : memref<1x1x128xi32, #tpu.memory_space<vmem>> -> memref<128xi32, #tpu.memory_space<vmem>>
      %dma_start3A_97 = arith.constant 0 : i32
      %dma_start3A_98 = arith.constant 0 : i32
      %dma_start3A_99 = tpu.memref_slice %arg5[%dma_start3A_97, %dma_start3A_98] : memref<10112x128xf32, #tpu.memory_space<vmem_shared>> -> memref<10112x128xf32, #tpu.memory_space<vmem_shared>>
      tpu.enqueue_indirect_dma source(%arg7 : memref<128x128xf32, #tpu.memory_space<vmem>>) target(%dma_start3A_99 : memref<10112x128xf32, #tpu.memory_space<vmem_shared>>) offsets(%dma_start3A_96 : memref<128xi32, #tpu.memory_space<vmem>>) semaphore(%run_scoped3A_93 : memref<!tpu.dma_semaphore, #tpu.memory_space<semaphore_mem>>) {add = true}
      %dma_wait3A_100 = arith.constant 0 : i32
      %dma_wait3A_101 = tpu.memref_slice %arg6[%run_scoped3A, %run_scoped3A_36, %dma_wait3A_100] : memref<2x40x128xi32, #tpu.memory_space<vmem>> -> memref<1x1x128xi32, #tpu.memory_space<vmem>>
      %dma_wait3A_102 = tpu.memref_squeeze %dma_wait3A_101 : memref<1x1x128xi32, #tpu.memory_space<vmem>> -> memref<128xi32, #tpu.memory_space<vmem>>
      %dma_wait3A_103 = arith.constant 0 : i32
      %dma_wait3A_104 = arith.constant 0 : i32
      %dma_wait3A_105 = tpu.memref_slice %arg5[%dma_wait3A_103, %dma_wait3A_104] : memref<10112x128xf32, #tpu.memory_space<vmem_shared>> -> memref<10112x128xf32, #tpu.memory_space<vmem_shared>>
      tpu.wait_indirect_dma semaphore(%run_scoped3A_93 : memref<!tpu.dma_semaphore, #tpu.memory_space<semaphore_mem>>) src(%arg7 : memref<128x128xf32, #tpu.memory_space<vmem>>) dst(%dma_wait3A_105 : memref<10112x128xf32, #tpu.memory_space<vmem_shared>>)
      tpu.yield
    }) : () -> ()
    %dma_wait3A_37 = arith.constant 0 : i32
    %dma_wait3A_38 = arith.constant 39 : i32
    %dma_wait3A_39 = arith.constant 0 : i32
    %dma_wait3A_40 = tpu.memref_slice %arg6[%dma_wait3A_37, %dma_wait3A_38, %dma_wait3A_39] : memref<2x40x128xi32, #tpu.memory_space<vmem>> -> memref<1x1x128xi32, #tpu.memory_space<vmem>>
    %dma_wait3A_41 = tpu.memref_squeeze %dma_wait3A_40 : memref<1x1x128xi32, #tpu.memory_space<vmem>> -> memref<128xi32, #tpu.memory_space<vmem>>
    %dma_wait3A_42 = arith.constant 0 : i32
    %dma_wait3A_43 = arith.constant 0 : i32
    %dma_wait3A_44 = tpu.memref_slice %arg2[%dma_wait3A_42, %dma_wait3A_43] : memref<10752x128xf32, #tpu.memory_space<hbm>> -> memref<10752x128xf32, #tpu.memory_space<hbm>>
    tpu.wait_indirect_dma semaphore(%arg10 : memref<!tpu.dma_semaphore, #tpu.memory_space<semaphore_mem>>) src(%dma_wait3A_44 : memref<10752x128xf32, #tpu.memory_space<hbm>>) dst(%arg8 : memref<128x128xf32, #tpu.memory_space<vmem>>)
    %run_scoped3A_45 = arith.constant 1 : i32
    %run_scoped3A_46 = arith.constant 39 : i32
    "tpu.region"() ({
      %run_scoped3A_93 = tpu.sem_alloc : memref<!tpu.dma_semaphore, #tpu.memory_space<semaphore_mem>>
      %dma_start3A_94 = arith.constant 0 : i32
      %dma_start3A_95 = tpu.memref_slice %arg6[%run_scoped3A_45, %run_scoped3A_46, %dma_start3A_94] : memref<2x40x128xi32, #tpu.memory_space<vmem>> -> memref<1x1x128xi32, #tpu.memory_space<vmem>>
      %dma_start3A_96 = tpu.memref_squeeze %dma_start3A_95 : memref<1x1x128xi32, #tpu.memory_space<vmem>> -> memref<128xi32, #tpu.memory_space<vmem>>
      %dma_start3A_97 = arith.constant 0 : i32
      %dma_start3A_98 = arith.constant 0 : i32
      %dma_start3A_99 = tpu.memref_slice %arg5[%dma_start3A_97, %dma_start3A_98] : memref<10112x128xf32, #tpu.memory_space<vmem_shared>> -> memref<10112x128xf32, #tpu.memory_space<vmem_shared>>
      tpu.enqueue_indirect_dma source(%arg8 : memref<128x128xf32, #tpu.memory_space<vmem>>) target(%dma_start3A_99 : memref<10112x128xf32, #tpu.memory_space<vmem_shared>>) offsets(%dma_start3A_96 : memref<128xi32, #tpu.memory_space<vmem>>) semaphore(%run_scoped3A_93 : memref<!tpu.dma_semaphore, #tpu.memory_space<semaphore_mem>>) {add = true}
      %dma_wait3A_100 = arith.constant 0 : i32
      %dma_wait3A_101 = tpu.memref_slice %arg6[%run_scoped3A_45, %run_scoped3A_46, %dma_wait3A_100] : memref<2x40x128xi32, #tpu.memory_space<vmem>> -> memref<1x1x128xi32, #tpu.memory_space<vmem>>
      %dma_wait3A_102 = tpu.memref_squeeze %dma_wait3A_101 : memref<1x1x128xi32, #tpu.memory_space<vmem>> -> memref<128xi32, #tpu.memory_space<vmem>>
      %dma_wait3A_103 = arith.constant 0 : i32
      %dma_wait3A_104 = arith.constant 0 : i32
      %dma_wait3A_105 = tpu.memref_slice %arg5[%dma_wait3A_103, %dma_wait3A_104] : memref<10112x128xf32, #tpu.memory_space<vmem_shared>> -> memref<10112x128xf32, #tpu.memory_space<vmem_shared>>
      tpu.wait_indirect_dma semaphore(%run_scoped3A_93 : memref<!tpu.dma_semaphore, #tpu.memory_space<semaphore_mem>>) src(%arg8 : memref<128x128xf32, #tpu.memory_space<vmem>>) dst(%dma_wait3A_105 : memref<10112x128xf32, #tpu.memory_space<vmem_shared>>)
      tpu.yield
    }) : () -> ()
    %add3A_47 = arith.constant 40 : i32
    %add3A_48 = arith.addi %multiple_of3A, %add3A_47 : i32
    %multiple_of3A_49 = tpu.assume_multiple %add3A_48, 8 : i32
    "tpu.region"() ({
      %run_scoped3A_93 = tpu.sem_alloc : memref<!tpu.dma_semaphore, #tpu.memory_space<semaphore_mem>>
      %dma_start3A_94 = arith.constant 0 : i32
      %dma_start3A_95 = arith.constant 0 : i32
      %dma_start3A_96 = tpu.memref_slice %arg3[%dma_start3A_94, %multiple_of3A_49, %dma_start3A_95] : memref<2x2560x128xi32, #tpu.memory_space<hbm>> -> memref<2x40x128xi32, #tpu.memory_space<hbm>>
      %dma_start3A_97 = arith.constant 0 : i32
      %dma_start3A_98 = arith.constant 0 : i32
      %dma_start3A_99 = tpu.memref_slice %arg3[%dma_start3A_97, %multiple_of3A_49, %dma_start3A_98] : memref<2x2560x128xi32, #tpu.memory_space<hbm>> -> memref<2x40x128xi32, #tpu.memory_space<hbm>>
      tpu.enqueue_dma source(%dma_start3A_99 : memref<2x40x128xi32, #tpu.memory_space<hbm>>) target(%arg6 : memref<2x40x128xi32, #tpu.memory_space<vmem>>) target_semaphore(%run_scoped3A_93 : memref<!tpu.dma_semaphore, #tpu.memory_space<semaphore_mem>>)
      %dma_wait3A_100 = arith.constant 0 : i32
      %dma_wait3A_101 = arith.constant 0 : i32
      %dma_wait3A_102 = tpu.memref_slice %arg3[%dma_wait3A_100, %multiple_of3A_49, %dma_wait3A_101] : memref<2x2560x128xi32, #tpu.memory_space<hbm>> -> memref<2x40x128xi32, #tpu.memory_space<hbm>>
      %dma_wait3A_103 = arith.constant 0 : i32
      %dma_wait3A_104 = arith.constant 0 : i32
      %dma_wait3A_105 = tpu.memref_slice %arg3[%dma_wait3A_103, %multiple_of3A_49, %dma_wait3A_104] : memref<2x2560x128xi32, #tpu.memory_space<hbm>> -> memref<2x40x128xi32, #tpu.memory_space<hbm>>
      tpu.wait_dma2 semaphore(%run_scoped3A_93 : memref<!tpu.dma_semaphore, #tpu.memory_space<semaphore_mem>>) src(%dma_wait3A_105 : memref<2x40x128xi32, #tpu.memory_space<hbm>>) dst(%arg6 : memref<2x40x128xi32, #tpu.memory_space<vmem>>)
      tpu.yield
    }) : () -> ()
    %dma_start3A_50 = arith.constant 0 : i32
    %dma_start3A_51 = arith.constant 0 : i32
    %dma_start3A_52 = arith.constant 0 : i32
    %dma_start3A_53 = tpu.memref_slice %arg6[%dma_start3A_50, %dma_start3A_51, %dma_start3A_52] : memref<2x40x128xi32, #tpu.memory_space<vmem>> -> memref<1x1x128xi32, #tpu.memory_space<vmem>>
    %dma_start3A_54 = tpu.memref_squeeze %dma_start3A_53 : memref<1x1x128xi32, #tpu.memory_space<vmem>> -> memref<128xi32, #tpu.memory_space<vmem>>
    %dma_start3A_55 = arith.constant 0 : i32
    %dma_start3A_56 = arith.constant 0 : i32
    %dma_start3A_57 = tpu.memref_slice %arg2[%dma_start3A_55, %dma_start3A_56] : memref<10752x128xf32, #tpu.memory_space<hbm>> -> memref<10752x128xf32, #tpu.memory_space<hbm>>
    tpu.enqueue_indirect_dma source(%dma_start3A_57 : memref<10752x128xf32, #tpu.memory_space<hbm>>) target(%arg7 : memref<128x128xf32, #tpu.memory_space<vmem>>) offsets(%dma_start3A_54 : memref<128xi32, #tpu.memory_space<vmem>>) semaphore(%arg9 : memref<!tpu.dma_semaphore, #tpu.memory_space<semaphore_mem>>)
    %dma_start3A_58 = arith.constant 0 : i32
    %dma_start3A_59 = arith.constant 1 : i32
    %dma_start3A_60 = arith.constant 0 : i32
    %dma_start3A_61 = tpu.memref_slice %arg6[%dma_start3A_58, %dma_start3A_59, %dma_start3A_60] : memref<2x40x128xi32, #tpu.memory_space<vmem>> -> memref<1x1x128xi32, #tpu.memory_space<vmem>>
    %dma_start3A_62 = tpu.memref_squeeze %dma_start3A_61 : memref<1x1x128xi32, #tpu.memory_space<vmem>> -> memref<128xi32, #tpu.memory_space<vmem>>
    %dma_start3A_63 = arith.constant 0 : i32
    %dma_start3A_64 = arith.constant 0 : i32
    %dma_start3A_65 = tpu.memref_slice %arg2[%dma_start3A_63, %dma_start3A_64] : memref<10752x128xf32, #tpu.memory_space<hbm>> -> memref<10752x128xf32, #tpu.memory_space<hbm>>
    tpu.enqueue_indirect_dma source(%dma_start3A_65 : memref<10752x128xf32, #tpu.memory_space<hbm>>) target(%arg8 : memref<128x128xf32, #tpu.memory_space<vmem>>) offsets(%dma_start3A_62 : memref<128xi32, #tpu.memory_space<vmem>>) semaphore(%arg10 : memref<!tpu.dma_semaphore, #tpu.memory_space<semaphore_mem>>)
    %scan3A_66 = arith.constant 0 : i32
    %scan3A_67 = arith.constant 0 : i32
    %scan3A_68 = arith.constant 19 : i32
    %scan3A_69 = arith.addi %scan3A_67, %scan3A_68 : i32
    %scan3A_70 = arith.constant 1 : i32
    scf.for %scan3A_93 = %scan3A_67 to %scan3A_69 step %scan3A_70  : i32 {
      %mul3A_94 = arith.constant 2 : i32
      %mul3A_95 = arith.muli %mul3A_94, %scan3A_93 : i32
      %add3A_96 = arith.constant 0 : i32
      %add3A_97 = arith.addi %mul3A_95, %add3A_96 : i32
      %dma_wait3A_98 = arith.constant 0 : i32
      %dma_wait3A_99 = arith.constant 0 : i32
      %dma_wait3A_100 = tpu.memref_slice %arg6[%dma_wait3A_98, %add3A_97, %dma_wait3A_99] : memref<2x40x128xi32, #tpu.memory_space<vmem>> -> memref<1x1x128xi32, #tpu.memory_space<vmem>>
      %dma_wait3A_101 = tpu.memref_squeeze %dma_wait3A_100 : memref<1x1x128xi32, #tpu.memory_space<vmem>> -> memref<128xi32, #tpu.memory_space<vmem>>
      %dma_wait3A_102 = arith.constant 0 : i32
      %dma_wait3A_103 = arith.constant 0 : i32
      %dma_wait3A_104 = tpu.memref_slice %arg2[%dma_wait3A_102, %dma_wait3A_103] : memref<10752x128xf32, #tpu.memory_space<hbm>> -> memref<10752x128xf32, #tpu.memory_space<hbm>>
      tpu.wait_indirect_dma semaphore(%arg9 : memref<!tpu.dma_semaphore, #tpu.memory_space<semaphore_mem>>) src(%dma_wait3A_104 : memref<10752x128xf32, #tpu.memory_space<hbm>>) dst(%arg7 : memref<128x128xf32, #tpu.memory_space<vmem>>)
      %run_scoped3A_105 = arith.constant 1 : i32
      "tpu.region"() ({
        %run_scoped3A_136 = tpu.sem_alloc : memref<!tpu.dma_semaphore, #tpu.memory_space<semaphore_mem>>
        %dma_start3A_137 = arith.constant 0 : i32
        %dma_start3A_138 = tpu.memref_slice %arg6[%run_scoped3A_105, %add3A_97, %dma_start3A_137] : memref<2x40x128xi32, #tpu.memory_space<vmem>> -> memref<1x1x128xi32, #tpu.memory_space<vmem>>
        %dma_start3A_139 = tpu.memref_squeeze %dma_start3A_138 : memref<1x1x128xi32, #tpu.memory_space<vmem>> -> memref<128xi32, #tpu.memory_space<vmem>>
        %dma_start3A_140 = arith.constant 0 : i32
        %dma_start3A_141 = arith.constant 0 : i32
        %dma_start3A_142 = tpu.memref_slice %arg5[%dma_start3A_140, %dma_start3A_141] : memref<10112x128xf32, #tpu.memory_space<vmem_shared>> -> memref<10112x128xf32, #tpu.memory_space<vmem_shared>>
        tpu.enqueue_indirect_dma source(%arg7 : memref<128x128xf32, #tpu.memory_space<vmem>>) target(%dma_start3A_142 : memref<10112x128xf32, #tpu.memory_space<vmem_shared>>) offsets(%dma_start3A_139 : memref<128xi32, #tpu.memory_space<vmem>>) semaphore(%run_scoped3A_136 : memref<!tpu.dma_semaphore, #tpu.memory_space<semaphore_mem>>) {add = true}
        %dma_wait3A_143 = arith.constant 0 : i32
        %dma_wait3A_144 = tpu.memref_slice %arg6[%run_scoped3A_105, %add3A_97, %dma_wait3A_143] : memref<2x40x128xi32, #tpu.memory_space<vmem>> -> memref<1x1x128xi32, #tpu.memory_space<vmem>>
        %dma_wait3A_145 = tpu.memref_squeeze %dma_wait3A_144 : memref<1x1x128xi32, #tpu.memory_space<vmem>> -> memref<128xi32, #tpu.memory_space<vmem>>
        %dma_wait3A_146 = arith.constant 0 : i32
        %dma_wait3A_147 = arith.constant 0 : i32
        %dma_wait3A_148 = tpu.memref_slice %arg5[%dma_wait3A_146, %dma_wait3A_147] : memref<10112x128xf32, #tpu.memory_space<vmem_shared>> -> memref<10112x128xf32, #tpu.memory_space<vmem_shared>>
        tpu.wait_indirect_dma semaphore(%run_scoped3A_136 : memref<!tpu.dma_semaphore, #tpu.memory_space<semaphore_mem>>) src(%arg7 : memref<128x128xf32, #tpu.memory_space<vmem>>) dst(%dma_wait3A_148 : memref<10112x128xf32, #tpu.memory_space<vmem_shared>>)
        tpu.yield
      }) : () -> ()
      %add3A_106 = arith.constant 2 : i32
      %add3A_107 = arith.addi %add3A_97, %add3A_106 : i32
      %dma_start3A_108 = arith.constant 0 : i32
      %dma_start3A_109 = arith.constant 0 : i32
      %dma_start3A_110 = tpu.memref_slice %arg6[%dma_start3A_108, %add3A_107, %dma_start3A_109] : memref<2x40x128xi32, #tpu.memory_space<vmem>> -> memref<1x1x128xi32, #tpu.memory_space<vmem>>
      %dma_start3A_111 = tpu.memref_squeeze %dma_start3A_110 : memref<1x1x128xi32, #tpu.memory_space<vmem>> -> memref<128xi32, #tpu.memory_space<vmem>>
      %dma_start3A_112 = arith.constant 0 : i32
      %dma_start3A_113 = arith.constant 0 : i32
      %dma_start3A_114 = tpu.memref_slice %arg2[%dma_start3A_112, %dma_start3A_113] : memref<10752x128xf32, #tpu.memory_space<hbm>> -> memref<10752x128xf32, #tpu.memory_space<hbm>>
      tpu.enqueue_indirect_dma source(%dma_start3A_114 : memref<10752x128xf32, #tpu.memory_space<hbm>>) target(%arg7 : memref<128x128xf32, #tpu.memory_space<vmem>>) offsets(%dma_start3A_111 : memref<128xi32, #tpu.memory_space<vmem>>) semaphore(%arg9 : memref<!tpu.dma_semaphore, #tpu.memory_space<semaphore_mem>>)
      %mul3A_115 = arith.constant 2 : i32
      %mul3A_116 = arith.muli %mul3A_115, %scan3A_93 : i32
      %add3A_117 = arith.constant 1 : i32
      %add3A_118 = arith.addi %mul3A_116, %add3A_117 : i32
      %dma_wait3A_119 = arith.constant 0 : i32
      %dma_wait3A_120 = arith.constant 0 : i32
      %dma_wait3A_121 = tpu.memref_slice %arg6[%dma_wait3A_119, %add3A_118, %dma_wait3A_120] : memref<2x40x128xi32, #tpu.memory_space<vmem>> -> memref<1x1x128xi32, #tpu.memory_space<vmem>>
      %dma_wait3A_122 = tpu.memref_squeeze %dma_wait3A_121 : memref<1x1x128xi32, #tpu.memory_space<vmem>> -> memref<128xi32, #tpu.memory_space<vmem>>
      %dma_wait3A_123 = arith.constant 0 : i32
      %dma_wait3A_124 = arith.constant 0 : i32
      %dma_wait3A_125 = tpu.memref_slice %arg2[%dma_wait3A_123, %dma_wait3A_124] : memref<10752x128xf32, #tpu.memory_space<hbm>> -> memref<10752x128xf32, #tpu.memory_space<hbm>>
      tpu.wait_indirect_dma semaphore(%arg10 : memref<!tpu.dma_semaphore, #tpu.memory_space<semaphore_mem>>) src(%dma_wait3A_125 : memref<10752x128xf32, #tpu.memory_space<hbm>>) dst(%arg8 : memref<128x128xf32, #tpu.memory_space<vmem>>)
      %run_scoped3A_126 = arith.constant 1 : i32
      "tpu.region"() ({
        %run_scoped3A_136 = tpu.sem_alloc : memref<!tpu.dma_semaphore, #tpu.memory_space<semaphore_mem>>
        %dma_start3A_137 = arith.constant 0 : i32
        %dma_start3A_138 = tpu.memref_slice %arg6[%run_scoped3A_126, %add3A_118, %dma_start3A_137] : memref<2x40x128xi32, #tpu.memory_space<vmem>> -> memref<1x1x128xi32, #tpu.memory_space<vmem>>
        %dma_start3A_139 = tpu.memref_squeeze %dma_start3A_138 : memref<1x1x128xi32, #tpu.memory_space<vmem>> -> memref<128xi32, #tpu.memory_space<vmem>>
        %dma_start3A_140 = arith.constant 0 : i32
        %dma_start3A_141 = arith.constant 0 : i32
        %dma_start3A_142 = tpu.memref_slice %arg5[%dma_start3A_140, %dma_start3A_141] : memref<10112x128xf32, #tpu.memory_space<vmem_shared>> -> memref<10112x128xf32, #tpu.memory_space<vmem_shared>>
        tpu.enqueue_indirect_dma source(%arg8 : memref<128x128xf32, #tpu.memory_space<vmem>>) target(%dma_start3A_142 : memref<10112x128xf32, #tpu.memory_space<vmem_shared>>) offsets(%dma_start3A_139 : memref<128xi32, #tpu.memory_space<vmem>>) semaphore(%run_scoped3A_136 : memref<!tpu.dma_semaphore, #tpu.memory_space<semaphore_mem>>) {add = true}
        %dma_wait3A_143 = arith.constant 0 : i32
        %dma_wait3A_144 = tpu.memref_slice %arg6[%run_scoped3A_126, %add3A_118, %dma_wait3A_143] : memref<2x40x128xi32, #tpu.memory_space<vmem>> -> memref<1x1x128xi32, #tpu.memory_space<vmem>>
        %dma_wait3A_145 = tpu.memref_squeeze %dma_wait3A_144 : memref<1x1x128xi32, #tpu.memory_space<vmem>> -> memref<128xi32, #tpu.memory_space<vmem>>
        %dma_wait3A_146 = arith.constant 0 : i32
        %dma_wait3A_147 = arith.constant 0 : i32
        %dma_wait3A_148 = tpu.memref_slice %arg5[%dma_wait3A_146, %dma_wait3A_147] : memref<10112x128xf32, #tpu.memory_space<vmem_shared>> -> memref<10112x128xf32, #tpu.memory_space<vmem_shared>>
        tpu.wait_indirect_dma semaphore(%run_scoped3A_136 : memref<!tpu.dma_semaphore, #tpu.memory_space<semaphore_mem>>) src(%arg8 : memref<128x128xf32, #tpu.memory_space<vmem>>) dst(%dma_wait3A_148 : memref<10112x128xf32, #tpu.memory_space<vmem_shared>>)
        tpu.yield
      }) : () -> ()
      %add3A_127 = arith.constant 2 : i32
      %add3A_128 = arith.addi %add3A_118, %add3A_127 : i32
      %dma_start3A_129 = arith.constant 0 : i32
      %dma_start3A_130 = arith.constant 0 : i32
      %dma_start3A_131 = tpu.memref_slice %arg6[%dma_start3A_129, %add3A_128, %dma_start3A_130] : memref<2x40x128xi32, #tpu.memory_space<vmem>> -> memref<1x1x128xi32, #tpu.memory_space<vmem>>
      %dma_start3A_132 = tpu.memref_squeeze %dma_start3A_131 : memref<1x1x128xi32, #tpu.memory_space<vmem>> -> memref<128xi32, #tpu.memory_space<vmem>>
      %dma_start3A_133 = arith.constant 0 : i32
      %dma_start3A_134 = arith.constant 0 : i32
      %dma_start3A_135 = tpu.memref_slice %arg2[%dma_start3A_133, %dma_start3A_134] : memref<10752x128xf32, #tpu.memory_space<hbm>> -> memref<10752x128xf32, #tpu.memory_space<hbm>>
      tpu.enqueue_indirect_dma source(%dma_start3A_135 : memref<10752x128xf32, #tpu.memory_space<hbm>>) target(%arg8 : memref<128x128xf32, #tpu.memory_space<vmem>>) offsets(%dma_start3A_132 : memref<128xi32, #tpu.memory_space<vmem>>) semaphore(%arg10 : memref<!tpu.dma_semaphore, #tpu.memory_space<semaphore_mem>>)
    }
    %scan3A_71 = arith.constant 19 : i32
    %dma_wait3A_72 = arith.constant 0 : i32
    %dma_wait3A_73 = arith.constant 38 : i32
    %dma_wait3A_74 = arith.constant 0 : i32
    %dma_wait3A_75 = tpu.memref_slice %arg6[%dma_wait3A_72, %dma_wait3A_73, %dma_wait3A_74] : memref<2x40x128xi32, #tpu.memory_space<vmem>> -> memref<1x1x128xi32, #tpu.memory_space<vmem>>
    %dma_wait3A_76 = tpu.memref_squeeze %dma_wait3A_75 : memref<1x1x128xi32, #tpu.memory_space<vmem>> -> memref<128xi32, #tpu.memory_space<vmem>>
    %dma_wait3A_77 = arith.constant 0 : i32
    %dma_wait3A_78 = arith.constant 0 : i32
    %dma_wait3A_79 = tpu.memref_slice %arg2[%dma_wait3A_77, %dma_wait3A_78] : memref<10752x128xf32, #tpu.memory_space<hbm>> -> memref<10752x128xf32, #tpu.memory_space<hbm>>
    tpu.wait_indirect_dma semaphore(%arg9 : memref<!tpu.dma_semaphore, #tpu.memory_space<semaphore_mem>>) src(%dma_wait3A_79 : memref<10752x128xf32, #tpu.memory_space<hbm>>) dst(%arg7 : memref<128x128xf32, #tpu.memory_space<vmem>>)
    %run_scoped3A_80 = arith.constant 1 : i32
    %run_scoped3A_81 = arith.constant 38 : i32
    "tpu.region"() ({
      %run_scoped3A_93 = tpu.sem_alloc : memref<!tpu.dma_semaphore, #tpu.memory_space<semaphore_mem>>
      %dma_start3A_94 = arith.constant 0 : i32
      %dma_start3A_95 = tpu.memref_slice %arg6[%run_scoped3A_80, %run_scoped3A_81, %dma_start3A_94] : memref<2x40x128xi32, #tpu.memory_space<vmem>> -> memref<1x1x128xi32, #tpu.memory_space<vmem>>
      %dma_start3A_96 = tpu.memref_squeeze %dma_start3A_95 : memref<1x1x128xi32, #tpu.memory_space<vmem>> -> memref<128xi32, #tpu.memory_space<vmem>>
      %dma_start3A_97 = arith.constant 0 : i32
      %dma_start3A_98 = arith.constant 0 : i32
      %dma_start3A_99 = tpu.memref_slice %arg5[%dma_start3A_97, %dma_start3A_98] : memref<10112x128xf32, #tpu.memory_space<vmem_shared>> -> memref<10112x128xf32, #tpu.memory_space<vmem_shared>>
      tpu.enqueue_indirect_dma source(%arg7 : memref<128x128xf32, #tpu.memory_space<vmem>>) target(%dma_start3A_99 : memref<10112x128xf32, #tpu.memory_space<vmem_shared>>) offsets(%dma_start3A_96 : memref<128xi32, #tpu.memory_space<vmem>>) semaphore(%run_scoped3A_93 : memref<!tpu.dma_semaphore, #tpu.memory_space<semaphore_mem>>) {add = true}
      %dma_wait3A_100 = arith.constant 0 : i32
      %dma_wait3A_101 = tpu.memref_slice %arg6[%run_scoped3A_80, %run_scoped3A_81, %dma_wait3A_100] : memref<2x40x128xi32, #tpu.memory_space<vmem>> -> memref<1x1x128xi32, #tpu.memory_space<vmem>>
      %dma_wait3A_102 = tpu.memref_squeeze %dma_wait3A_101 : memref<1x1x128xi32, #tpu.memory_space<vmem>> -> memref<128xi32, #tpu.memory_space<vmem>>
      %dma_wait3A_103 = arith.constant 0 : i32
      %dma_wait3A_104 = arith.constant 0 : i32
      %dma_wait3A_105 = tpu.memref_slice %arg5[%dma_wait3A_103, %dma_wait3A_104] : memref<10112x128xf32, #tpu.memory_space<vmem_shared>> -> memref<10112x128xf32, #tpu.memory_space<vmem_shared>>
      tpu.wait_indirect_dma semaphore(%run_scoped3A_93 : memref<!tpu.dma_semaphore, #tpu.memory_space<semaphore_mem>>) src(%arg7 : memref<128x128xf32, #tpu.memory_space<vmem>>) dst(%dma_wait3A_105 : memref<10112x128xf32, #tpu.memory_space<vmem_shared>>)
      tpu.yield
    }) : () -> ()
    %dma_wait3A_82 = arith.constant 0 : i32
    %dma_wait3A_83 = arith.constant 39 : i32
    %dma_wait3A_84 = arith.constant 0 : i32
    %dma_wait3A_85 = tpu.memref_slice %arg6[%dma_wait3A_82, %dma_wait3A_83, %dma_wait3A_84] : memref<2x40x128xi32, #tpu.memory_space<vmem>> -> memref<1x1x128xi32, #tpu.memory_space<vmem>>
    %dma_wait3A_86 = tpu.memref_squeeze %dma_wait3A_85 : memref<1x1x128xi32, #tpu.memory_space<vmem>> -> memref<128xi32, #tpu.memory_space<vmem>>
    %dma_wait3A_87 = arith.constant 0 : i32
    %dma_wait3A_88 = arith.constant 0 : i32
    %dma_wait3A_89 = tpu.memref_slice %arg2[%dma_wait3A_87, %dma_wait3A_88] : memref<10752x128xf32, #tpu.memory_space<hbm>> -> memref<10752x128xf32, #tpu.memory_space<hbm>>
    tpu.wait_indirect_dma semaphore(%arg10 : memref<!tpu.dma_semaphore, #tpu.memory_space<semaphore_mem>>) src(%dma_wait3A_89 : memref<10752x128xf32, #tpu.memory_space<hbm>>) dst(%arg8 : memref<128x128xf32, #tpu.memory_space<vmem>>)
    %run_scoped3A_90 = arith.constant 1 : i32
    %run_scoped3A_91 = arith.constant 39 : i32
    "tpu.region"() ({
      %run_scoped3A_93 = tpu.sem_alloc : memref<!tpu.dma_semaphore, #tpu.memory_space<semaphore_mem>>
      %dma_start3A_94 = arith.constant 0 : i32
      %dma_start3A_95 = tpu.memref_slice %arg6[%run_scoped3A_90, %run_scoped3A_91, %dma_start3A_94] : memref<2x40x128xi32, #tpu.memory_space<vmem>> -> memref<1x1x128xi32, #tpu.memory_space<vmem>>
      %dma_start3A_96 = tpu.memref_squeeze %dma_start3A_95 : memref<1x1x128xi32, #tpu.memory_space<vmem>> -> memref<128xi32, #tpu.memory_space<vmem>>
      %dma_start3A_97 = arith.constant 0 : i32
      %dma_start3A_98 = arith.constant 0 : i32
      %dma_start3A_99 = tpu.memref_slice %arg5[%dma_start3A_97, %dma_start3A_98] : memref<10112x128xf32, #tpu.memory_space<vmem_shared>> -> memref<10112x128xf32, #tpu.memory_space<vmem_shared>>
      tpu.enqueue_indirect_dma source(%arg8 : memref<128x128xf32, #tpu.memory_space<vmem>>) target(%dma_start3A_99 : memref<10112x128xf32, #tpu.memory_space<vmem_shared>>) offsets(%dma_start3A_96 : memref<128xi32, #tpu.memory_space<vmem>>) semaphore(%run_scoped3A_93 : memref<!tpu.dma_semaphore, #tpu.memory_space<semaphore_mem>>) {add = true}
      %dma_wait3A_100 = arith.constant 0 : i32
      %dma_wait3A_101 = tpu.memref_slice %arg6[%run_scoped3A_90, %run_scoped3A_91, %dma_wait3A_100] : memref<2x40x128xi32, #tpu.memory_space<vmem>> -> memref<1x1x128xi32, #tpu.memory_space<vmem>>
      %dma_wait3A_102 = tpu.memref_squeeze %dma_wait3A_101 : memref<1x1x128xi32, #tpu.memory_space<vmem>> -> memref<128xi32, #tpu.memory_space<vmem>>
      %dma_wait3A_103 = arith.constant 0 : i32
      %dma_wait3A_104 = arith.constant 0 : i32
      %dma_wait3A_105 = tpu.memref_slice %arg5[%dma_wait3A_103, %dma_wait3A_104] : memref<10112x128xf32, #tpu.memory_space<vmem_shared>> -> memref<10112x128xf32, #tpu.memory_space<vmem_shared>>
      tpu.wait_indirect_dma semaphore(%run_scoped3A_93 : memref<!tpu.dma_semaphore, #tpu.memory_space<semaphore_mem>>) src(%arg8 : memref<128x128xf32, #tpu.memory_space<vmem>>) dst(%dma_wait3A_105 : memref<10112x128xf32, #tpu.memory_space<vmem_shared>>)
      tpu.yield
    }) : () -> ()
    %barrier3A_92 = arith.constant 0 : index
    tpu.barrier barrier_id(%barrier3A_92)
    "tpu.region"() ({
      %run_scoped3A_93 = tpu.sem_alloc : memref<!tpu.dma_semaphore, #tpu.memory_space<semaphore_mem>>
      %dma_start3A_94 = arith.constant 0 : i32
      %dma_start3A_95 = tpu.memref_slice %arg4[%arg0, %multiple_of3A_5, %dma_start3A_94] : memref<2x10112x128xf32, #tpu.memory_space<hbm>> -> memref<1x632x128xf32, #tpu.memory_space<hbm>>
      %dma_start3A_96 = tpu.memref_squeeze %dma_start3A_95 : memref<1x632x128xf32, #tpu.memory_space<hbm>> -> memref<632x128xf32, #tpu.memory_space<hbm>>
      %dma_start3A_97 = arith.constant 0 : i32
      %dma_start3A_98 = tpu.memref_slice %arg5[%multiple_of3A_5, %dma_start3A_97] : memref<10112x128xf32, #tpu.memory_space<vmem_shared>> -> memref<632x128xf32, #tpu.memory_space<vmem_shared>>
      tpu.enqueue_dma source(%dma_start3A_98 : memref<632x128xf32, #tpu.memory_space<vmem_shared>>) target(%dma_start3A_96 : memref<632x128xf32, #tpu.memory_space<hbm>>) target_semaphore(%run_scoped3A_93 : memref<!tpu.dma_semaphore, #tpu.memory_space<semaphore_mem>>)
      %dma_wait3A_99 = arith.constant 0 : i32
      %dma_wait3A_100 = tpu.memref_slice %arg4[%arg0, %multiple_of3A_5, %dma_wait3A_99] : memref<2x10112x128xf32, #tpu.memory_space<hbm>> -> memref<1x632x128xf32, #tpu.memory_space<hbm>>
      %dma_wait3A_101 = tpu.memref_squeeze %dma_wait3A_100 : memref<1x632x128xf32, #tpu.memory_space<hbm>> -> memref<632x128xf32, #tpu.memory_space<hbm>>
      %dma_wait3A_102 = arith.constant 0 : i32
      %dma_wait3A_103 = tpu.memref_slice %arg5[%multiple_of3A_5, %dma_wait3A_102] : memref<10112x128xf32, #tpu.memory_space<vmem_shared>> -> memref<632x128xf32, #tpu.memory_space<vmem_shared>>
      tpu.wait_dma2 semaphore(%run_scoped3A_93 : memref<!tpu.dma_semaphore, #tpu.memory_space<semaphore_mem>>) src(%dma_wait3A_103 : memref<632x128xf32, #tpu.memory_space<vmem_shared>>) dst(%dma_wait3A_101 : memref<632x128xf32, #tpu.memory_space<hbm>>)
      tpu.yield
    }) : () -> ()
    return
  }
}

#map = affine_map<(d0, d1) -> (0, 0, 0)>
#map1 = affine_map<(d0, d1) -> (0)>
module attributes {stable_mosaic.version = 14 : i64} {
  func.func @deg_kernel(%arg0: i32, %arg1: i32, %arg2: memref<2x2560x128xi32, #tpu.memory_space<hbm>>, %arg3: memref<10240xf32, #tpu.memory_space<hbm>>, %arg4: memref<20480xf32, #tpu.memory_space<hbm>>, %arg5: memref<10240xf32, #tpu.memory_space<vmem_shared>>, %arg6: memref<2x80x128xi32, #tpu.memory_space<vmem>>, %arg7: memref<128xf32, #tpu.memory_space<vmem>>, %arg8: memref<!tpu.dma_semaphore, #tpu.memory_space<semaphore_mem>>) attributes {dimension_semantics = [#tpu.dimension_semantics<core_parallel>, #tpu.dimension_semantics<subcore_parallel>], iteration_bounds = array<i64: 2, 16>, scalar_prefetch = 0 : i64, scratch_operands = 4 : i64, tpu.core_type = #tpu.core_type<sc_vector_subcore>, window_params = [{transform_indices = #map}, {transform_indices = #map1}, {transform_indices = #map1}]} {
    %mul3A = arith.constant 2 : i32
    %mul3A_0 = arith.muli %arg1, %mul3A : i32
    %add3A = arith.addi %mul3A_0, %arg0 : i32
    %mul3A_1 = arith.constant 80 : i32
    %mul3A_2 = arith.muli %add3A, %mul3A_1 : i32
    %multiple_of3A = tpu.assume_multiple %mul3A_2, 8 : i32
    %mul3A_3 = arith.constant 640 : i32
    %mul3A_4 = arith.muli %arg1, %mul3A_3 : i32
    %multiple_of3A_5 = tpu.assume_multiple %mul3A_4, 640 : i32
    %broadcast_in_dim3A = arith.constant 1.000000e+00 : f32
    %broadcast_in_dim3A_6 = vector.broadcast %broadcast_in_dim3A : f32 to vector<16xf32>
    %swap3A = arith.constant 0 : index
    %swap3A_7 = tpu.vector_load %arg7[%swap3A] {strides = array<i32>} : memref<128xf32, #tpu.memory_space<vmem>>, vector<16xf32>,
    %swap3A_8 = vector.shape_cast %swap3A_7 : vector<16xf32> to vector<16xf32>
    %swap3A_9 = vector.shape_cast %broadcast_in_dim3A_6 : vector<16xf32> to vector<16xf32>
    tpu.vector_store %arg7[%swap3A], %swap3A_9 {strides = array<i32>} : memref<128xf32, #tpu.memory_space<vmem>>, vector<16xf32>,
    %swap3A_10 = arith.constant 16 : index
    %swap3A_11 = tpu.vector_load %arg7[%swap3A_10] {strides = array<i32>} : memref<128xf32, #tpu.memory_space<vmem>>, vector<16xf32>,
    %swap3A_12 = vector.shape_cast %swap3A_11 : vector<16xf32> to vector<16xf32>
    %swap3A_13 = vector.shape_cast %broadcast_in_dim3A_6 : vector<16xf32> to vector<16xf32>
    tpu.vector_store %arg7[%swap3A_10], %swap3A_13 {strides = array<i32>} : memref<128xf32, #tpu.memory_space<vmem>>, vector<16xf32>,
    %swap3A_14 = arith.constant 32 : index
    %swap3A_15 = tpu.vector_load %arg7[%swap3A_14] {strides = array<i32>} : memref<128xf32, #tpu.memory_space<vmem>>, vector<16xf32>,
    %swap3A_16 = vector.shape_cast %swap3A_15 : vector<16xf32> to vector<16xf32>
    %swap3A_17 = vector.shape_cast %broadcast_in_dim3A_6 : vector<16xf32> to vector<16xf32>
    tpu.vector_store %arg7[%swap3A_14], %swap3A_17 {strides = array<i32>} : memref<128xf32, #tpu.memory_space<vmem>>, vector<16xf32>,
    %swap3A_18 = arith.constant 48 : index
    %swap3A_19 = tpu.vector_load %arg7[%swap3A_18] {strides = array<i32>} : memref<128xf32, #tpu.memory_space<vmem>>, vector<16xf32>,
    %swap3A_20 = vector.shape_cast %swap3A_19 : vector<16xf32> to vector<16xf32>
    %swap3A_21 = vector.shape_cast %broadcast_in_dim3A_6 : vector<16xf32> to vector<16xf32>
    tpu.vector_store %arg7[%swap3A_18], %swap3A_21 {strides = array<i32>} : memref<128xf32, #tpu.memory_space<vmem>>, vector<16xf32>,
    %swap3A_22 = arith.constant 64 : index
    %swap3A_23 = tpu.vector_load %arg7[%swap3A_22] {strides = array<i32>} : memref<128xf32, #tpu.memory_space<vmem>>, vector<16xf32>,
    %swap3A_24 = vector.shape_cast %swap3A_23 : vector<16xf32> to vector<16xf32>
    %swap3A_25 = vector.shape_cast %broadcast_in_dim3A_6 : vector<16xf32> to vector<16xf32>
    tpu.vector_store %arg7[%swap3A_22], %swap3A_25 {strides = array<i32>} : memref<128xf32, #tpu.memory_space<vmem>>, vector<16xf32>,
    %swap3A_26 = arith.constant 80 : index
    %swap3A_27 = tpu.vector_load %arg7[%swap3A_26] {strides = array<i32>} : memref<128xf32, #tpu.memory_space<vmem>>, vector<16xf32>,
    %swap3A_28 = vector.shape_cast %swap3A_27 : vector<16xf32> to vector<16xf32>
    %swap3A_29 = vector.shape_cast %broadcast_in_dim3A_6 : vector<16xf32> to vector<16xf32>
    tpu.vector_store %arg7[%swap3A_26], %swap3A_29 {strides = array<i32>} : memref<128xf32, #tpu.memory_space<vmem>>, vector<16xf32>,
    %swap3A_30 = arith.constant 96 : index
    %swap3A_31 = tpu.vector_load %arg7[%swap3A_30] {strides = array<i32>} : memref<128xf32, #tpu.memory_space<vmem>>, vector<16xf32>,
    %swap3A_32 = vector.shape_cast %swap3A_31 : vector<16xf32> to vector<16xf32>
    %swap3A_33 = vector.shape_cast %broadcast_in_dim3A_6 : vector<16xf32> to vector<16xf32>
    tpu.vector_store %arg7[%swap3A_30], %swap3A_33 {strides = array<i32>} : memref<128xf32, #tpu.memory_space<vmem>>, vector<16xf32>,
    %swap3A_34 = arith.constant 112 : index
    %swap3A_35 = tpu.vector_load %arg7[%swap3A_34] {strides = array<i32>} : memref<128xf32, #tpu.memory_space<vmem>>, vector<16xf32>,
    %swap3A_36 = vector.shape_cast %swap3A_35 : vector<16xf32> to vector<16xf32>
    %swap3A_37 = vector.shape_cast %broadcast_in_dim3A_6 : vector<16xf32> to vector<16xf32>
    tpu.vector_store %arg7[%swap3A_34], %swap3A_37 {strides = array<i32>} : memref<128xf32, #tpu.memory_space<vmem>>, vector<16xf32>,
    "tpu.region"() ({
      %run_scoped3A = tpu.sem_alloc : memref<!tpu.dma_semaphore, #tpu.memory_space<semaphore_mem>>
      %dma_start3A = arith.constant 0 : i32
      %dma_start3A_50 = arith.constant 0 : i32
      %dma_start3A_51 = tpu.memref_slice %arg2[%dma_start3A, %multiple_of3A, %dma_start3A_50] : memref<2x2560x128xi32, #tpu.memory_space<hbm>> -> memref<2x80x128xi32, #tpu.memory_space<hbm>>
      %dma_start3A_52 = arith.constant 0 : i32
      %dma_start3A_53 = arith.constant 0 : i32
      %dma_start3A_54 = tpu.memref_slice %arg2[%dma_start3A_52, %multiple_of3A, %dma_start3A_53] : memref<2x2560x128xi32, #tpu.memory_space<hbm>> -> memref<2x80x128xi32, #tpu.memory_space<hbm>>
      tpu.enqueue_dma source(%dma_start3A_54 : memref<2x80x128xi32, #tpu.memory_space<hbm>>) target(%arg6 : memref<2x80x128xi32, #tpu.memory_space<vmem>>) target_semaphore(%run_scoped3A : memref<!tpu.dma_semaphore, #tpu.memory_space<semaphore_mem>>)
      %dma_wait3A = arith.constant 0 : i32
      %dma_wait3A_55 = arith.constant 0 : i32
      %dma_wait3A_56 = tpu.memref_slice %arg2[%dma_wait3A, %multiple_of3A, %dma_wait3A_55] : memref<2x2560x128xi32, #tpu.memory_space<hbm>> -> memref<2x80x128xi32, #tpu.memory_space<hbm>>
      %dma_wait3A_57 = arith.constant 0 : i32
      %dma_wait3A_58 = arith.constant 0 : i32
      %dma_wait3A_59 = tpu.memref_slice %arg2[%dma_wait3A_57, %multiple_of3A, %dma_wait3A_58] : memref<2x2560x128xi32, #tpu.memory_space<hbm>> -> memref<2x80x128xi32, #tpu.memory_space<hbm>>
      tpu.wait_dma2 semaphore(%run_scoped3A : memref<!tpu.dma_semaphore, #tpu.memory_space<semaphore_mem>>) src(%dma_wait3A_59 : memref<2x80x128xi32, #tpu.memory_space<hbm>>) dst(%arg6 : memref<2x80x128xi32, #tpu.memory_space<vmem>>)
      tpu.yield
    }) : () -> ()
    "tpu.region"() ({
      %run_scoped3A = tpu.sem_alloc : memref<!tpu.dma_semaphore, #tpu.memory_space<semaphore_mem>>
      %dma_start3A = tpu.memref_slice %arg5[%multiple_of3A_5] : memref<10240xf32, #tpu.memory_space<vmem_shared>> -> memref<640xf32, #tpu.memory_space<vmem_shared>>
      %dma_start3A_50 = arith.constant 0 : i32
      %dma_start3A_51 = tpu.memref_slice %arg3[%dma_start3A_50] : memref<10240xf32, #tpu.memory_space<hbm>> -> memref<640xf32, #tpu.memory_space<hbm>>
      tpu.enqueue_dma source(%dma_start3A_51 : memref<640xf32, #tpu.memory_space<hbm>>) target(%dma_start3A : memref<640xf32, #tpu.memory_space<vmem_shared>>) target_semaphore(%run_scoped3A : memref<!tpu.dma_semaphore, #tpu.memory_space<semaphore_mem>>)
      %dma_wait3A = tpu.memref_slice %arg5[%multiple_of3A_5] : memref<10240xf32, #tpu.memory_space<vmem_shared>> -> memref<640xf32, #tpu.memory_space<vmem_shared>>
      %dma_wait3A_52 = arith.constant 0 : i32
      %dma_wait3A_53 = tpu.memref_slice %arg3[%dma_wait3A_52] : memref<10240xf32, #tpu.memory_space<hbm>> -> memref<640xf32, #tpu.memory_space<hbm>>
      tpu.wait_dma2 semaphore(%run_scoped3A : memref<!tpu.dma_semaphore, #tpu.memory_space<semaphore_mem>>) src(%dma_wait3A_53 : memref<640xf32, #tpu.memory_space<hbm>>) dst(%dma_wait3A : memref<640xf32, #tpu.memory_space<vmem_shared>>)
      tpu.yield
    }) : () -> ()
    %barrier3A = arith.constant 0 : index
    tpu.barrier barrier_id(%barrier3A)
    %scan3A = arith.constant 0 : i32
    %scan3A_38 = arith.constant 0 : i32
    %scan3A_39 = arith.constant 5 : i32
    %scan3A_40 = arith.addi %scan3A_38, %scan3A_39 : i32
    %scan3A_41 = arith.constant 1 : i32
    scf.for %scan3A_50 = %scan3A_38 to %scan3A_40 step %scan3A_41  : i32 {
      %mul3A_51 = arith.constant 16 : i32
      %mul3A_52 = arith.muli %scan3A_50, %mul3A_51 : i32
      %add3A_53 = arith.constant 0 : i32
      %add3A_54 = arith.addi %mul3A_52, %add3A_53 : i32
      %dma_start3A = arith.constant 0 : i32
      %dma_start3A_55 = arith.constant 0 : i32
      %dma_start3A_56 = tpu.memref_slice %arg6[%dma_start3A, %add3A_54, %dma_start3A_55] : memref<2x80x128xi32, #tpu.memory_space<vmem>> -> memref<1x1x128xi32, #tpu.memory_space<vmem>>
      %dma_start3A_57 = tpu.memref_squeeze %dma_start3A_56 : memref<1x1x128xi32, #tpu.memory_space<vmem>> -> memref<128xi32, #tpu.memory_space<vmem>>
      %dma_start3A_58 = arith.constant 0 : i32
      %dma_start3A_59 = tpu.memref_slice %arg5[%dma_start3A_58] : memref<10240xf32, #tpu.memory_space<vmem_shared>> -> memref<10240xf32, #tpu.memory_space<vmem_shared>>
      tpu.enqueue_indirect_dma source(%arg7 : memref<128xf32, #tpu.memory_space<vmem>>) target(%dma_start3A_59 : memref<10240xf32, #tpu.memory_space<vmem_shared>>) offsets(%dma_start3A_57 : memref<128xi32, #tpu.memory_space<vmem>>) semaphore(%arg8 : memref<!tpu.dma_semaphore, #tpu.memory_space<semaphore_mem>>) {add = true}
      %mul3A_60 = arith.constant 16 : i32
      %mul3A_61 = arith.muli %scan3A_50, %mul3A_60 : i32
      %add3A_62 = arith.constant 1 : i32
      %add3A_63 = arith.addi %mul3A_61, %add3A_62 : i32
      %dma_start3A_64 = arith.constant 0 : i32
      %dma_start3A_65 = arith.constant 0 : i32
      %dma_start3A_66 = tpu.memref_slice %arg6[%dma_start3A_64, %add3A_63, %dma_start3A_65] : memref<2x80x128xi32, #tpu.memory_space<vmem>> -> memref<1x1x128xi32, #tpu.memory_space<vmem>>
      %dma_start3A_67 = tpu.memref_squeeze %dma_start3A_66 : memref<1x1x128xi32, #tpu.memory_space<vmem>> -> memref<128xi32, #tpu.memory_space<vmem>>
      %dma_start3A_68 = arith.constant 0 : i32
      %dma_start3A_69 = tpu.memref_slice %arg5[%dma_start3A_68] : memref<10240xf32, #tpu.memory_space<vmem_shared>> -> memref<10240xf32, #tpu.memory_space<vmem_shared>>
      tpu.enqueue_indirect_dma source(%arg7 : memref<128xf32, #tpu.memory_space<vmem>>) target(%dma_start3A_69 : memref<10240xf32, #tpu.memory_space<vmem_shared>>) offsets(%dma_start3A_67 : memref<128xi32, #tpu.memory_space<vmem>>) semaphore(%arg8 : memref<!tpu.dma_semaphore, #tpu.memory_space<semaphore_mem>>) {add = true}
      %mul3A_70 = arith.constant 16 : i32
      %mul3A_71 = arith.muli %scan3A_50, %mul3A_70 : i32
      %add3A_72 = arith.constant 2 : i32
      %add3A_73 = arith.addi %mul3A_71, %add3A_72 : i32
      %dma_start3A_74 = arith.constant 0 : i32
      %dma_start3A_75 = arith.constant 0 : i32
      %dma_start3A_76 = tpu.memref_slice %arg6[%dma_start3A_74, %add3A_73, %dma_start3A_75] : memref<2x80x128xi32, #tpu.memory_space<vmem>> -> memref<1x1x128xi32, #tpu.memory_space<vmem>>
      %dma_start3A_77 = tpu.memref_squeeze %dma_start3A_76 : memref<1x1x128xi32, #tpu.memory_space<vmem>> -> memref<128xi32, #tpu.memory_space<vmem>>
      %dma_start3A_78 = arith.constant 0 : i32
      %dma_start3A_79 = tpu.memref_slice %arg5[%dma_start3A_78] : memref<10240xf32, #tpu.memory_space<vmem_shared>> -> memref<10240xf32, #tpu.memory_space<vmem_shared>>
      tpu.enqueue_indirect_dma source(%arg7 : memref<128xf32, #tpu.memory_space<vmem>>) target(%dma_start3A_79 : memref<10240xf32, #tpu.memory_space<vmem_shared>>) offsets(%dma_start3A_77 : memref<128xi32, #tpu.memory_space<vmem>>) semaphore(%arg8 : memref<!tpu.dma_semaphore, #tpu.memory_space<semaphore_mem>>) {add = true}
      %mul3A_80 = arith.constant 16 : i32
      %mul3A_81 = arith.muli %scan3A_50, %mul3A_80 : i32
      %add3A_82 = arith.constant 3 : i32
      %add3A_83 = arith.addi %mul3A_81, %add3A_82 : i32
      %dma_start3A_84 = arith.constant 0 : i32
      %dma_start3A_85 = arith.constant 0 : i32
      %dma_start3A_86 = tpu.memref_slice %arg6[%dma_start3A_84, %add3A_83, %dma_start3A_85] : memref<2x80x128xi32, #tpu.memory_space<vmem>> -> memref<1x1x128xi32, #tpu.memory_space<vmem>>
      %dma_start3A_87 = tpu.memref_squeeze %dma_start3A_86 : memref<1x1x128xi32, #tpu.memory_space<vmem>> -> memref<128xi32, #tpu.memory_space<vmem>>
      %dma_start3A_88 = arith.constant 0 : i32
      %dma_start3A_89 = tpu.memref_slice %arg5[%dma_start3A_88] : memref<10240xf32, #tpu.memory_space<vmem_shared>> -> memref<10240xf32, #tpu.memory_space<vmem_shared>>
      tpu.enqueue_indirect_dma source(%arg7 : memref<128xf32, #tpu.memory_space<vmem>>) target(%dma_start3A_89 : memref<10240xf32, #tpu.memory_space<vmem_shared>>) offsets(%dma_start3A_87 : memref<128xi32, #tpu.memory_space<vmem>>) semaphore(%arg8 : memref<!tpu.dma_semaphore, #tpu.memory_space<semaphore_mem>>) {add = true}
      %mul3A_90 = arith.constant 16 : i32
      %mul3A_91 = arith.muli %scan3A_50, %mul3A_90 : i32
      %add3A_92 = arith.constant 4 : i32
      %add3A_93 = arith.addi %mul3A_91, %add3A_92 : i32
      %dma_start3A_94 = arith.constant 0 : i32
      %dma_start3A_95 = arith.constant 0 : i32
      %dma_start3A_96 = tpu.memref_slice %arg6[%dma_start3A_94, %add3A_93, %dma_start3A_95] : memref<2x80x128xi32, #tpu.memory_space<vmem>> -> memref<1x1x128xi32, #tpu.memory_space<vmem>>
      %dma_start3A_97 = tpu.memref_squeeze %dma_start3A_96 : memref<1x1x128xi32, #tpu.memory_space<vmem>> -> memref<128xi32, #tpu.memory_space<vmem>>
      %dma_start3A_98 = arith.constant 0 : i32
      %dma_start3A_99 = tpu.memref_slice %arg5[%dma_start3A_98] : memref<10240xf32, #tpu.memory_space<vmem_shared>> -> memref<10240xf32, #tpu.memory_space<vmem_shared>>
      tpu.enqueue_indirect_dma source(%arg7 : memref<128xf32, #tpu.memory_space<vmem>>) target(%dma_start3A_99 : memref<10240xf32, #tpu.memory_space<vmem_shared>>) offsets(%dma_start3A_97 : memref<128xi32, #tpu.memory_space<vmem>>) semaphore(%arg8 : memref<!tpu.dma_semaphore, #tpu.memory_space<semaphore_mem>>) {add = true}
      %mul3A_100 = arith.constant 16 : i32
      %mul3A_101 = arith.muli %scan3A_50, %mul3A_100 : i32
      %add3A_102 = arith.constant 5 : i32
      %add3A_103 = arith.addi %mul3A_101, %add3A_102 : i32
      %dma_start3A_104 = arith.constant 0 : i32
      %dma_start3A_105 = arith.constant 0 : i32
      %dma_start3A_106 = tpu.memref_slice %arg6[%dma_start3A_104, %add3A_103, %dma_start3A_105] : memref<2x80x128xi32, #tpu.memory_space<vmem>> -> memref<1x1x128xi32, #tpu.memory_space<vmem>>
      %dma_start3A_107 = tpu.memref_squeeze %dma_start3A_106 : memref<1x1x128xi32, #tpu.memory_space<vmem>> -> memref<128xi32, #tpu.memory_space<vmem>>
      %dma_start3A_108 = arith.constant 0 : i32
      %dma_start3A_109 = tpu.memref_slice %arg5[%dma_start3A_108] : memref<10240xf32, #tpu.memory_space<vmem_shared>> -> memref<10240xf32, #tpu.memory_space<vmem_shared>>
      tpu.enqueue_indirect_dma source(%arg7 : memref<128xf32, #tpu.memory_space<vmem>>) target(%dma_start3A_109 : memref<10240xf32, #tpu.memory_space<vmem_shared>>) offsets(%dma_start3A_107 : memref<128xi32, #tpu.memory_space<vmem>>) semaphore(%arg8 : memref<!tpu.dma_semaphore, #tpu.memory_space<semaphore_mem>>) {add = true}
      %mul3A_110 = arith.constant 16 : i32
      %mul3A_111 = arith.muli %scan3A_50, %mul3A_110 : i32
      %add3A_112 = arith.constant 6 : i32
      %add3A_113 = arith.addi %mul3A_111, %add3A_112 : i32
      %dma_start3A_114 = arith.constant 0 : i32
      %dma_start3A_115 = arith.constant 0 : i32
      %dma_start3A_116 = tpu.memref_slice %arg6[%dma_start3A_114, %add3A_113, %dma_start3A_115] : memref<2x80x128xi32, #tpu.memory_space<vmem>> -> memref<1x1x128xi32, #tpu.memory_space<vmem>>
      %dma_start3A_117 = tpu.memref_squeeze %dma_start3A_116 : memref<1x1x128xi32, #tpu.memory_space<vmem>> -> memref<128xi32, #tpu.memory_space<vmem>>
      %dma_start3A_118 = arith.constant 0 : i32
      %dma_start3A_119 = tpu.memref_slice %arg5[%dma_start3A_118] : memref<10240xf32, #tpu.memory_space<vmem_shared>> -> memref<10240xf32, #tpu.memory_space<vmem_shared>>
      tpu.enqueue_indirect_dma source(%arg7 : memref<128xf32, #tpu.memory_space<vmem>>) target(%dma_start3A_119 : memref<10240xf32, #tpu.memory_space<vmem_shared>>) offsets(%dma_start3A_117 : memref<128xi32, #tpu.memory_space<vmem>>) semaphore(%arg8 : memref<!tpu.dma_semaphore, #tpu.memory_space<semaphore_mem>>) {add = true}
      %mul3A_120 = arith.constant 16 : i32
      %mul3A_121 = arith.muli %scan3A_50, %mul3A_120 : i32
      %add3A_122 = arith.constant 7 : i32
      %add3A_123 = arith.addi %mul3A_121, %add3A_122 : i32
      %dma_start3A_124 = arith.constant 0 : i32
      %dma_start3A_125 = arith.constant 0 : i32
      %dma_start3A_126 = tpu.memref_slice %arg6[%dma_start3A_124, %add3A_123, %dma_start3A_125] : memref<2x80x128xi32, #tpu.memory_space<vmem>> -> memref<1x1x128xi32, #tpu.memory_space<vmem>>
      %dma_start3A_127 = tpu.memref_squeeze %dma_start3A_126 : memref<1x1x128xi32, #tpu.memory_space<vmem>> -> memref<128xi32, #tpu.memory_space<vmem>>
      %dma_start3A_128 = arith.constant 0 : i32
      %dma_start3A_129 = tpu.memref_slice %arg5[%dma_start3A_128] : memref<10240xf32, #tpu.memory_space<vmem_shared>> -> memref<10240xf32, #tpu.memory_space<vmem_shared>>
      tpu.enqueue_indirect_dma source(%arg7 : memref<128xf32, #tpu.memory_space<vmem>>) target(%dma_start3A_129 : memref<10240xf32, #tpu.memory_space<vmem_shared>>) offsets(%dma_start3A_127 : memref<128xi32, #tpu.memory_space<vmem>>) semaphore(%arg8 : memref<!tpu.dma_semaphore, #tpu.memory_space<semaphore_mem>>) {add = true}
      %mul3A_130 = arith.constant 16 : i32
      %mul3A_131 = arith.muli %scan3A_50, %mul3A_130 : i32
      %add3A_132 = arith.constant 8 : i32
      %add3A_133 = arith.addi %mul3A_131, %add3A_132 : i32
      %dma_start3A_134 = arith.constant 0 : i32
      %dma_start3A_135 = arith.constant 0 : i32
      %dma_start3A_136 = tpu.memref_slice %arg6[%dma_start3A_134, %add3A_133, %dma_start3A_135] : memref<2x80x128xi32, #tpu.memory_space<vmem>> -> memref<1x1x128xi32, #tpu.memory_space<vmem>>
      %dma_start3A_137 = tpu.memref_squeeze %dma_start3A_136 : memref<1x1x128xi32, #tpu.memory_space<vmem>> -> memref<128xi32, #tpu.memory_space<vmem>>
      %dma_start3A_138 = arith.constant 0 : i32
      %dma_start3A_139 = tpu.memref_slice %arg5[%dma_start3A_138] : memref<10240xf32, #tpu.memory_space<vmem_shared>> -> memref<10240xf32, #tpu.memory_space<vmem_shared>>
      tpu.enqueue_indirect_dma source(%arg7 : memref<128xf32, #tpu.memory_space<vmem>>) target(%dma_start3A_139 : memref<10240xf32, #tpu.memory_space<vmem_shared>>) offsets(%dma_start3A_137 : memref<128xi32, #tpu.memory_space<vmem>>) semaphore(%arg8 : memref<!tpu.dma_semaphore, #tpu.memory_space<semaphore_mem>>) {add = true}
      %mul3A_140 = arith.constant 16 : i32
      %mul3A_141 = arith.muli %scan3A_50, %mul3A_140 : i32
      %add3A_142 = arith.constant 9 : i32
      %add3A_143 = arith.addi %mul3A_141, %add3A_142 : i32
      %dma_start3A_144 = arith.constant 0 : i32
      %dma_start3A_145 = arith.constant 0 : i32
      %dma_start3A_146 = tpu.memref_slice %arg6[%dma_start3A_144, %add3A_143, %dma_start3A_145] : memref<2x80x128xi32, #tpu.memory_space<vmem>> -> memref<1x1x128xi32, #tpu.memory_space<vmem>>
      %dma_start3A_147 = tpu.memref_squeeze %dma_start3A_146 : memref<1x1x128xi32, #tpu.memory_space<vmem>> -> memref<128xi32, #tpu.memory_space<vmem>>
      %dma_start3A_148 = arith.constant 0 : i32
      %dma_start3A_149 = tpu.memref_slice %arg5[%dma_start3A_148] : memref<10240xf32, #tpu.memory_space<vmem_shared>> -> memref<10240xf32, #tpu.memory_space<vmem_shared>>
      tpu.enqueue_indirect_dma source(%arg7 : memref<128xf32, #tpu.memory_space<vmem>>) target(%dma_start3A_149 : memref<10240xf32, #tpu.memory_space<vmem_shared>>) offsets(%dma_start3A_147 : memref<128xi32, #tpu.memory_space<vmem>>) semaphore(%arg8 : memref<!tpu.dma_semaphore, #tpu.memory_space<semaphore_mem>>) {add = true}
      %mul3A_150 = arith.constant 16 : i32
      %mul3A_151 = arith.muli %scan3A_50, %mul3A_150 : i32
      %add3A_152 = arith.constant 10 : i32
      %add3A_153 = arith.addi %mul3A_151, %add3A_152 : i32
      %dma_start3A_154 = arith.constant 0 : i32
      %dma_start3A_155 = arith.constant 0 : i32
      %dma_start3A_156 = tpu.memref_slice %arg6[%dma_start3A_154, %add3A_153, %dma_start3A_155] : memref<2x80x128xi32, #tpu.memory_space<vmem>> -> memref<1x1x128xi32, #tpu.memory_space<vmem>>
      %dma_start3A_157 = tpu.memref_squeeze %dma_start3A_156 : memref<1x1x128xi32, #tpu.memory_space<vmem>> -> memref<128xi32, #tpu.memory_space<vmem>>
      %dma_start3A_158 = arith.constant 0 : i32
      %dma_start3A_159 = tpu.memref_slice %arg5[%dma_start3A_158] : memref<10240xf32, #tpu.memory_space<vmem_shared>> -> memref<10240xf32, #tpu.memory_space<vmem_shared>>
      tpu.enqueue_indirect_dma source(%arg7 : memref<128xf32, #tpu.memory_space<vmem>>) target(%dma_start3A_159 : memref<10240xf32, #tpu.memory_space<vmem_shared>>) offsets(%dma_start3A_157 : memref<128xi32, #tpu.memory_space<vmem>>) semaphore(%arg8 : memref<!tpu.dma_semaphore, #tpu.memory_space<semaphore_mem>>) {add = true}
      %mul3A_160 = arith.constant 16 : i32
      %mul3A_161 = arith.muli %scan3A_50, %mul3A_160 : i32
      %add3A_162 = arith.constant 11 : i32
      %add3A_163 = arith.addi %mul3A_161, %add3A_162 : i32
      %dma_start3A_164 = arith.constant 0 : i32
      %dma_start3A_165 = arith.constant 0 : i32
      %dma_start3A_166 = tpu.memref_slice %arg6[%dma_start3A_164, %add3A_163, %dma_start3A_165] : memref<2x80x128xi32, #tpu.memory_space<vmem>> -> memref<1x1x128xi32, #tpu.memory_space<vmem>>
      %dma_start3A_167 = tpu.memref_squeeze %dma_start3A_166 : memref<1x1x128xi32, #tpu.memory_space<vmem>> -> memref<128xi32, #tpu.memory_space<vmem>>
      %dma_start3A_168 = arith.constant 0 : i32
      %dma_start3A_169 = tpu.memref_slice %arg5[%dma_start3A_168] : memref<10240xf32, #tpu.memory_space<vmem_shared>> -> memref<10240xf32, #tpu.memory_space<vmem_shared>>
      tpu.enqueue_indirect_dma source(%arg7 : memref<128xf32, #tpu.memory_space<vmem>>) target(%dma_start3A_169 : memref<10240xf32, #tpu.memory_space<vmem_shared>>) offsets(%dma_start3A_167 : memref<128xi32, #tpu.memory_space<vmem>>) semaphore(%arg8 : memref<!tpu.dma_semaphore, #tpu.memory_space<semaphore_mem>>) {add = true}
      %mul3A_170 = arith.constant 16 : i32
      %mul3A_171 = arith.muli %scan3A_50, %mul3A_170 : i32
      %add3A_172 = arith.constant 12 : i32
      %add3A_173 = arith.addi %mul3A_171, %add3A_172 : i32
      %dma_start3A_174 = arith.constant 0 : i32
      %dma_start3A_175 = arith.constant 0 : i32
      %dma_start3A_176 = tpu.memref_slice %arg6[%dma_start3A_174, %add3A_173, %dma_start3A_175] : memref<2x80x128xi32, #tpu.memory_space<vmem>> -> memref<1x1x128xi32, #tpu.memory_space<vmem>>
      %dma_start3A_177 = tpu.memref_squeeze %dma_start3A_176 : memref<1x1x128xi32, #tpu.memory_space<vmem>> -> memref<128xi32, #tpu.memory_space<vmem>>
      %dma_start3A_178 = arith.constant 0 : i32
      %dma_start3A_179 = tpu.memref_slice %arg5[%dma_start3A_178] : memref<10240xf32, #tpu.memory_space<vmem_shared>> -> memref<10240xf32, #tpu.memory_space<vmem_shared>>
      tpu.enqueue_indirect_dma source(%arg7 : memref<128xf32, #tpu.memory_space<vmem>>) target(%dma_start3A_179 : memref<10240xf32, #tpu.memory_space<vmem_shared>>) offsets(%dma_start3A_177 : memref<128xi32, #tpu.memory_space<vmem>>) semaphore(%arg8 : memref<!tpu.dma_semaphore, #tpu.memory_space<semaphore_mem>>) {add = true}
      %mul3A_180 = arith.constant 16 : i32
      %mul3A_181 = arith.muli %scan3A_50, %mul3A_180 : i32
      %add3A_182 = arith.constant 13 : i32
      %add3A_183 = arith.addi %mul3A_181, %add3A_182 : i32
      %dma_start3A_184 = arith.constant 0 : i32
      %dma_start3A_185 = arith.constant 0 : i32
      %dma_start3A_186 = tpu.memref_slice %arg6[%dma_start3A_184, %add3A_183, %dma_start3A_185] : memref<2x80x128xi32, #tpu.memory_space<vmem>> -> memref<1x1x128xi32, #tpu.memory_space<vmem>>
      %dma_start3A_187 = tpu.memref_squeeze %dma_start3A_186 : memref<1x1x128xi32, #tpu.memory_space<vmem>> -> memref<128xi32, #tpu.memory_space<vmem>>
      %dma_start3A_188 = arith.constant 0 : i32
      %dma_start3A_189 = tpu.memref_slice %arg5[%dma_start3A_188] : memref<10240xf32, #tpu.memory_space<vmem_shared>> -> memref<10240xf32, #tpu.memory_space<vmem_shared>>
      tpu.enqueue_indirect_dma source(%arg7 : memref<128xf32, #tpu.memory_space<vmem>>) target(%dma_start3A_189 : memref<10240xf32, #tpu.memory_space<vmem_shared>>) offsets(%dma_start3A_187 : memref<128xi32, #tpu.memory_space<vmem>>) semaphore(%arg8 : memref<!tpu.dma_semaphore, #tpu.memory_space<semaphore_mem>>) {add = true}
      %mul3A_190 = arith.constant 16 : i32
      %mul3A_191 = arith.muli %scan3A_50, %mul3A_190 : i32
      %add3A_192 = arith.constant 14 : i32
      %add3A_193 = arith.addi %mul3A_191, %add3A_192 : i32
      %dma_start3A_194 = arith.constant 0 : i32
      %dma_start3A_195 = arith.constant 0 : i32
      %dma_start3A_196 = tpu.memref_slice %arg6[%dma_start3A_194, %add3A_193, %dma_start3A_195] : memref<2x80x128xi32, #tpu.memory_space<vmem>> -> memref<1x1x128xi32, #tpu.memory_space<vmem>>
      %dma_start3A_197 = tpu.memref_squeeze %dma_start3A_196 : memref<1x1x128xi32, #tpu.memory_space<vmem>> -> memref<128xi32, #tpu.memory_space<vmem>>
      %dma_start3A_198 = arith.constant 0 : i32
      %dma_start3A_199 = tpu.memref_slice %arg5[%dma_start3A_198] : memref<10240xf32, #tpu.memory_space<vmem_shared>> -> memref<10240xf32, #tpu.memory_space<vmem_shared>>
      tpu.enqueue_indirect_dma source(%arg7 : memref<128xf32, #tpu.memory_space<vmem>>) target(%dma_start3A_199 : memref<10240xf32, #tpu.memory_space<vmem_shared>>) offsets(%dma_start3A_197 : memref<128xi32, #tpu.memory_space<vmem>>) semaphore(%arg8 : memref<!tpu.dma_semaphore, #tpu.memory_space<semaphore_mem>>) {add = true}
      %mul3A_200 = arith.constant 16 : i32
      %mul3A_201 = arith.muli %scan3A_50, %mul3A_200 : i32
      %add3A_202 = arith.constant 15 : i32
      %add3A_203 = arith.addi %mul3A_201, %add3A_202 : i32
      %dma_start3A_204 = arith.constant 0 : i32
      %dma_start3A_205 = arith.constant 0 : i32
      %dma_start3A_206 = tpu.memref_slice %arg6[%dma_start3A_204, %add3A_203, %dma_start3A_205] : memref<2x80x128xi32, #tpu.memory_space<vmem>> -> memref<1x1x128xi32, #tpu.memory_space<vmem>>
      %dma_start3A_207 = tpu.memref_squeeze %dma_start3A_206 : memref<1x1x128xi32, #tpu.memory_space<vmem>> -> memref<128xi32, #tpu.memory_space<vmem>>
      %dma_start3A_208 = arith.constant 0 : i32
      %dma_start3A_209 = tpu.memref_slice %arg5[%dma_start3A_208] : memref<10240xf32, #tpu.memory_space<vmem_shared>> -> memref<10240xf32, #tpu.memory_space<vmem_shared>>
      tpu.enqueue_indirect_dma source(%arg7 : memref<128xf32, #tpu.memory_space<vmem>>) target(%dma_start3A_209 : memref<10240xf32, #tpu.memory_space<vmem_shared>>) offsets(%dma_start3A_207 : memref<128xi32, #tpu.memory_space<vmem>>) semaphore(%arg8 : memref<!tpu.dma_semaphore, #tpu.memory_space<semaphore_mem>>) {add = true}
      %mul3A_210 = arith.constant 16 : i32
      %mul3A_211 = arith.muli %scan3A_50, %mul3A_210 : i32
      %add3A_212 = arith.constant 0 : i32
      %add3A_213 = arith.addi %mul3A_211, %add3A_212 : i32
      %dma_wait3A = arith.constant 0 : i32
      %dma_wait3A_214 = arith.constant 0 : i32
      %dma_wait3A_215 = tpu.memref_slice %arg6[%dma_wait3A, %add3A_213, %dma_wait3A_214] : memref<2x80x128xi32, #tpu.memory_space<vmem>> -> memref<1x1x128xi32, #tpu.memory_space<vmem>>
      %dma_wait3A_216 = tpu.memref_squeeze %dma_wait3A_215 : memref<1x1x128xi32, #tpu.memory_space<vmem>> -> memref<128xi32, #tpu.memory_space<vmem>>
      %dma_wait3A_217 = arith.constant 0 : i32
      %dma_wait3A_218 = tpu.memref_slice %arg5[%dma_wait3A_217] : memref<10240xf32, #tpu.memory_space<vmem_shared>> -> memref<10240xf32, #tpu.memory_space<vmem_shared>>
      tpu.wait_indirect_dma semaphore(%arg8 : memref<!tpu.dma_semaphore, #tpu.memory_space<semaphore_mem>>) src(%arg7 : memref<128xf32, #tpu.memory_space<vmem>>) dst(%dma_wait3A_218 : memref<10240xf32, #tpu.memory_space<vmem_shared>>)
      %mul3A_219 = arith.constant 16 : i32
      %mul3A_220 = arith.muli %scan3A_50, %mul3A_219 : i32
      %add3A_221 = arith.constant 1 : i32
      %add3A_222 = arith.addi %mul3A_220, %add3A_221 : i32
      %dma_wait3A_223 = arith.constant 0 : i32
      %dma_wait3A_224 = arith.constant 0 : i32
      %dma_wait3A_225 = tpu.memref_slice %arg6[%dma_wait3A_223, %add3A_222, %dma_wait3A_224] : memref<2x80x128xi32, #tpu.memory_space<vmem>> -> memref<1x1x128xi32, #tpu.memory_space<vmem>>
      %dma_wait3A_226 = tpu.memref_squeeze %dma_wait3A_225 : memref<1x1x128xi32, #tpu.memory_space<vmem>> -> memref<128xi32, #tpu.memory_space<vmem>>
      %dma_wait3A_227 = arith.constant 0 : i32
      %dma_wait3A_228 = tpu.memref_slice %arg5[%dma_wait3A_227] : memref<10240xf32, #tpu.memory_space<vmem_shared>> -> memref<10240xf32, #tpu.memory_space<vmem_shared>>
      tpu.wait_indirect_dma semaphore(%arg8 : memref<!tpu.dma_semaphore, #tpu.memory_space<semaphore_mem>>) src(%arg7 : memref<128xf32, #tpu.memory_space<vmem>>) dst(%dma_wait3A_228 : memref<10240xf32, #tpu.memory_space<vmem_shared>>)
      %mul3A_229 = arith.constant 16 : i32
      %mul3A_230 = arith.muli %scan3A_50, %mul3A_229 : i32
      %add3A_231 = arith.constant 2 : i32
      %add3A_232 = arith.addi %mul3A_230, %add3A_231 : i32
      %dma_wait3A_233 = arith.constant 0 : i32
      %dma_wait3A_234 = arith.constant 0 : i32
      %dma_wait3A_235 = tpu.memref_slice %arg6[%dma_wait3A_233, %add3A_232, %dma_wait3A_234] : memref<2x80x128xi32, #tpu.memory_space<vmem>> -> memref<1x1x128xi32, #tpu.memory_space<vmem>>
      %dma_wait3A_236 = tpu.memref_squeeze %dma_wait3A_235 : memref<1x1x128xi32, #tpu.memory_space<vmem>> -> memref<128xi32, #tpu.memory_space<vmem>>
      %dma_wait3A_237 = arith.constant 0 : i32
      %dma_wait3A_238 = tpu.memref_slice %arg5[%dma_wait3A_237] : memref<10240xf32, #tpu.memory_space<vmem_shared>> -> memref<10240xf32, #tpu.memory_space<vmem_shared>>
      tpu.wait_indirect_dma semaphore(%arg8 : memref<!tpu.dma_semaphore, #tpu.memory_space<semaphore_mem>>) src(%arg7 : memref<128xf32, #tpu.memory_space<vmem>>) dst(%dma_wait3A_238 : memref<10240xf32, #tpu.memory_space<vmem_shared>>)
      %mul3A_239 = arith.constant 16 : i32
      %mul3A_240 = arith.muli %scan3A_50, %mul3A_239 : i32
      %add3A_241 = arith.constant 3 : i32
      %add3A_242 = arith.addi %mul3A_240, %add3A_241 : i32
      %dma_wait3A_243 = arith.constant 0 : i32
      %dma_wait3A_244 = arith.constant 0 : i32
      %dma_wait3A_245 = tpu.memref_slice %arg6[%dma_wait3A_243, %add3A_242, %dma_wait3A_244] : memref<2x80x128xi32, #tpu.memory_space<vmem>> -> memref<1x1x128xi32, #tpu.memory_space<vmem>>
      %dma_wait3A_246 = tpu.memref_squeeze %dma_wait3A_245 : memref<1x1x128xi32, #tpu.memory_space<vmem>> -> memref<128xi32, #tpu.memory_space<vmem>>
      %dma_wait3A_247 = arith.constant 0 : i32
      %dma_wait3A_248 = tpu.memref_slice %arg5[%dma_wait3A_247] : memref<10240xf32, #tpu.memory_space<vmem_shared>> -> memref<10240xf32, #tpu.memory_space<vmem_shared>>
      tpu.wait_indirect_dma semaphore(%arg8 : memref<!tpu.dma_semaphore, #tpu.memory_space<semaphore_mem>>) src(%arg7 : memref<128xf32, #tpu.memory_space<vmem>>) dst(%dma_wait3A_248 : memref<10240xf32, #tpu.memory_space<vmem_shared>>)
      %mul3A_249 = arith.constant 16 : i32
      %mul3A_250 = arith.muli %scan3A_50, %mul3A_249 : i32
      %add3A_251 = arith.constant 4 : i32
      %add3A_252 = arith.addi %mul3A_250, %add3A_251 : i32
      %dma_wait3A_253 = arith.constant 0 : i32
      %dma_wait3A_254 = arith.constant 0 : i32
      %dma_wait3A_255 = tpu.memref_slice %arg6[%dma_wait3A_253, %add3A_252, %dma_wait3A_254] : memref<2x80x128xi32, #tpu.memory_space<vmem>> -> memref<1x1x128xi32, #tpu.memory_space<vmem>>
      %dma_wait3A_256 = tpu.memref_squeeze %dma_wait3A_255 : memref<1x1x128xi32, #tpu.memory_space<vmem>> -> memref<128xi32, #tpu.memory_space<vmem>>
      %dma_wait3A_257 = arith.constant 0 : i32
      %dma_wait3A_258 = tpu.memref_slice %arg5[%dma_wait3A_257] : memref<10240xf32, #tpu.memory_space<vmem_shared>> -> memref<10240xf32, #tpu.memory_space<vmem_shared>>
      tpu.wait_indirect_dma semaphore(%arg8 : memref<!tpu.dma_semaphore, #tpu.memory_space<semaphore_mem>>) src(%arg7 : memref<128xf32, #tpu.memory_space<vmem>>) dst(%dma_wait3A_258 : memref<10240xf32, #tpu.memory_space<vmem_shared>>)
      %mul3A_259 = arith.constant 16 : i32
      %mul3A_260 = arith.muli %scan3A_50, %mul3A_259 : i32
      %add3A_261 = arith.constant 5 : i32
      %add3A_262 = arith.addi %mul3A_260, %add3A_261 : i32
      %dma_wait3A_263 = arith.constant 0 : i32
      %dma_wait3A_264 = arith.constant 0 : i32
      %dma_wait3A_265 = tpu.memref_slice %arg6[%dma_wait3A_263, %add3A_262, %dma_wait3A_264] : memref<2x80x128xi32, #tpu.memory_space<vmem>> -> memref<1x1x128xi32, #tpu.memory_space<vmem>>
      %dma_wait3A_266 = tpu.memref_squeeze %dma_wait3A_265 : memref<1x1x128xi32, #tpu.memory_space<vmem>> -> memref<128xi32, #tpu.memory_space<vmem>>
      %dma_wait3A_267 = arith.constant 0 : i32
      %dma_wait3A_268 = tpu.memref_slice %arg5[%dma_wait3A_267] : memref<10240xf32, #tpu.memory_space<vmem_shared>> -> memref<10240xf32, #tpu.memory_space<vmem_shared>>
      tpu.wait_indirect_dma semaphore(%arg8 : memref<!tpu.dma_semaphore, #tpu.memory_space<semaphore_mem>>) src(%arg7 : memref<128xf32, #tpu.memory_space<vmem>>) dst(%dma_wait3A_268 : memref<10240xf32, #tpu.memory_space<vmem_shared>>)
      %mul3A_269 = arith.constant 16 : i32
      %mul3A_270 = arith.muli %scan3A_50, %mul3A_269 : i32
      %add3A_271 = arith.constant 6 : i32
      %add3A_272 = arith.addi %mul3A_270, %add3A_271 : i32
      %dma_wait3A_273 = arith.constant 0 : i32
      %dma_wait3A_274 = arith.constant 0 : i32
      %dma_wait3A_275 = tpu.memref_slice %arg6[%dma_wait3A_273, %add3A_272, %dma_wait3A_274] : memref<2x80x128xi32, #tpu.memory_space<vmem>> -> memref<1x1x128xi32, #tpu.memory_space<vmem>>
      %dma_wait3A_276 = tpu.memref_squeeze %dma_wait3A_275 : memref<1x1x128xi32, #tpu.memory_space<vmem>> -> memref<128xi32, #tpu.memory_space<vmem>>
      %dma_wait3A_277 = arith.constant 0 : i32
      %dma_wait3A_278 = tpu.memref_slice %arg5[%dma_wait3A_277] : memref<10240xf32, #tpu.memory_space<vmem_shared>> -> memref<10240xf32, #tpu.memory_space<vmem_shared>>
      tpu.wait_indirect_dma semaphore(%arg8 : memref<!tpu.dma_semaphore, #tpu.memory_space<semaphore_mem>>) src(%arg7 : memref<128xf32, #tpu.memory_space<vmem>>) dst(%dma_wait3A_278 : memref<10240xf32, #tpu.memory_space<vmem_shared>>)
      %mul3A_279 = arith.constant 16 : i32
      %mul3A_280 = arith.muli %scan3A_50, %mul3A_279 : i32
      %add3A_281 = arith.constant 7 : i32
      %add3A_282 = arith.addi %mul3A_280, %add3A_281 : i32
      %dma_wait3A_283 = arith.constant 0 : i32
      %dma_wait3A_284 = arith.constant 0 : i32
      %dma_wait3A_285 = tpu.memref_slice %arg6[%dma_wait3A_283, %add3A_282, %dma_wait3A_284] : memref<2x80x128xi32, #tpu.memory_space<vmem>> -> memref<1x1x128xi32, #tpu.memory_space<vmem>>
      %dma_wait3A_286 = tpu.memref_squeeze %dma_wait3A_285 : memref<1x1x128xi32, #tpu.memory_space<vmem>> -> memref<128xi32, #tpu.memory_space<vmem>>
      %dma_wait3A_287 = arith.constant 0 : i32
      %dma_wait3A_288 = tpu.memref_slice %arg5[%dma_wait3A_287] : memref<10240xf32, #tpu.memory_space<vmem_shared>> -> memref<10240xf32, #tpu.memory_space<vmem_shared>>
      tpu.wait_indirect_dma semaphore(%arg8 : memref<!tpu.dma_semaphore, #tpu.memory_space<semaphore_mem>>) src(%arg7 : memref<128xf32, #tpu.memory_space<vmem>>) dst(%dma_wait3A_288 : memref<10240xf32, #tpu.memory_space<vmem_shared>>)
      %mul3A_289 = arith.constant 16 : i32
      %mul3A_290 = arith.muli %scan3A_50, %mul3A_289 : i32
      %add3A_291 = arith.constant 8 : i32
      %add3A_292 = arith.addi %mul3A_290, %add3A_291 : i32
      %dma_wait3A_293 = arith.constant 0 : i32
      %dma_wait3A_294 = arith.constant 0 : i32
      %dma_wait3A_295 = tpu.memref_slice %arg6[%dma_wait3A_293, %add3A_292, %dma_wait3A_294] : memref<2x80x128xi32, #tpu.memory_space<vmem>> -> memref<1x1x128xi32, #tpu.memory_space<vmem>>
      %dma_wait3A_296 = tpu.memref_squeeze %dma_wait3A_295 : memref<1x1x128xi32, #tpu.memory_space<vmem>> -> memref<128xi32, #tpu.memory_space<vmem>>
      %dma_wait3A_297 = arith.constant 0 : i32
      %dma_wait3A_298 = tpu.memref_slice %arg5[%dma_wait3A_297] : memref<10240xf32, #tpu.memory_space<vmem_shared>> -> memref<10240xf32, #tpu.memory_space<vmem_shared>>
      tpu.wait_indirect_dma semaphore(%arg8 : memref<!tpu.dma_semaphore, #tpu.memory_space<semaphore_mem>>) src(%arg7 : memref<128xf32, #tpu.memory_space<vmem>>) dst(%dma_wait3A_298 : memref<10240xf32, #tpu.memory_space<vmem_shared>>)
      %mul3A_299 = arith.constant 16 : i32
      %mul3A_300 = arith.muli %scan3A_50, %mul3A_299 : i32
      %add3A_301 = arith.constant 9 : i32
      %add3A_302 = arith.addi %mul3A_300, %add3A_301 : i32
      %dma_wait3A_303 = arith.constant 0 : i32
      %dma_wait3A_304 = arith.constant 0 : i32
      %dma_wait3A_305 = tpu.memref_slice %arg6[%dma_wait3A_303, %add3A_302, %dma_wait3A_304] : memref<2x80x128xi32, #tpu.memory_space<vmem>> -> memref<1x1x128xi32, #tpu.memory_space<vmem>>
      %dma_wait3A_306 = tpu.memref_squeeze %dma_wait3A_305 : memref<1x1x128xi32, #tpu.memory_space<vmem>> -> memref<128xi32, #tpu.memory_space<vmem>>
      %dma_wait3A_307 = arith.constant 0 : i32
      %dma_wait3A_308 = tpu.memref_slice %arg5[%dma_wait3A_307] : memref<10240xf32, #tpu.memory_space<vmem_shared>> -> memref<10240xf32, #tpu.memory_space<vmem_shared>>
      tpu.wait_indirect_dma semaphore(%arg8 : memref<!tpu.dma_semaphore, #tpu.memory_space<semaphore_mem>>) src(%arg7 : memref<128xf32, #tpu.memory_space<vmem>>) dst(%dma_wait3A_308 : memref<10240xf32, #tpu.memory_space<vmem_shared>>)
      %mul3A_309 = arith.constant 16 : i32
      %mul3A_310 = arith.muli %scan3A_50, %mul3A_309 : i32
      %add3A_311 = arith.constant 10 : i32
      %add3A_312 = arith.addi %mul3A_310, %add3A_311 : i32
      %dma_wait3A_313 = arith.constant 0 : i32
      %dma_wait3A_314 = arith.constant 0 : i32
      %dma_wait3A_315 = tpu.memref_slice %arg6[%dma_wait3A_313, %add3A_312, %dma_wait3A_314] : memref<2x80x128xi32, #tpu.memory_space<vmem>> -> memref<1x1x128xi32, #tpu.memory_space<vmem>>
      %dma_wait3A_316 = tpu.memref_squeeze %dma_wait3A_315 : memref<1x1x128xi32, #tpu.memory_space<vmem>> -> memref<128xi32, #tpu.memory_space<vmem>>
      %dma_wait3A_317 = arith.constant 0 : i32
      %dma_wait3A_318 = tpu.memref_slice %arg5[%dma_wait3A_317] : memref<10240xf32, #tpu.memory_space<vmem_shared>> -> memref<10240xf32, #tpu.memory_space<vmem_shared>>
      tpu.wait_indirect_dma semaphore(%arg8 : memref<!tpu.dma_semaphore, #tpu.memory_space<semaphore_mem>>) src(%arg7 : memref<128xf32, #tpu.memory_space<vmem>>) dst(%dma_wait3A_318 : memref<10240xf32, #tpu.memory_space<vmem_shared>>)
      %mul3A_319 = arith.constant 16 : i32
      %mul3A_320 = arith.muli %scan3A_50, %mul3A_319 : i32
      %add3A_321 = arith.constant 11 : i32
      %add3A_322 = arith.addi %mul3A_320, %add3A_321 : i32
      %dma_wait3A_323 = arith.constant 0 : i32
      %dma_wait3A_324 = arith.constant 0 : i32
      %dma_wait3A_325 = tpu.memref_slice %arg6[%dma_wait3A_323, %add3A_322, %dma_wait3A_324] : memref<2x80x128xi32, #tpu.memory_space<vmem>> -> memref<1x1x128xi32, #tpu.memory_space<vmem>>
      %dma_wait3A_326 = tpu.memref_squeeze %dma_wait3A_325 : memref<1x1x128xi32, #tpu.memory_space<vmem>> -> memref<128xi32, #tpu.memory_space<vmem>>
      %dma_wait3A_327 = arith.constant 0 : i32
      %dma_wait3A_328 = tpu.memref_slice %arg5[%dma_wait3A_327] : memref<10240xf32, #tpu.memory_space<vmem_shared>> -> memref<10240xf32, #tpu.memory_space<vmem_shared>>
      tpu.wait_indirect_dma semaphore(%arg8 : memref<!tpu.dma_semaphore, #tpu.memory_space<semaphore_mem>>) src(%arg7 : memref<128xf32, #tpu.memory_space<vmem>>) dst(%dma_wait3A_328 : memref<10240xf32, #tpu.memory_space<vmem_shared>>)
      %mul3A_329 = arith.constant 16 : i32
      %mul3A_330 = arith.muli %scan3A_50, %mul3A_329 : i32
      %add3A_331 = arith.constant 12 : i32
      %add3A_332 = arith.addi %mul3A_330, %add3A_331 : i32
      %dma_wait3A_333 = arith.constant 0 : i32
      %dma_wait3A_334 = arith.constant 0 : i32
      %dma_wait3A_335 = tpu.memref_slice %arg6[%dma_wait3A_333, %add3A_332, %dma_wait3A_334] : memref<2x80x128xi32, #tpu.memory_space<vmem>> -> memref<1x1x128xi32, #tpu.memory_space<vmem>>
      %dma_wait3A_336 = tpu.memref_squeeze %dma_wait3A_335 : memref<1x1x128xi32, #tpu.memory_space<vmem>> -> memref<128xi32, #tpu.memory_space<vmem>>
      %dma_wait3A_337 = arith.constant 0 : i32
      %dma_wait3A_338 = tpu.memref_slice %arg5[%dma_wait3A_337] : memref<10240xf32, #tpu.memory_space<vmem_shared>> -> memref<10240xf32, #tpu.memory_space<vmem_shared>>
      tpu.wait_indirect_dma semaphore(%arg8 : memref<!tpu.dma_semaphore, #tpu.memory_space<semaphore_mem>>) src(%arg7 : memref<128xf32, #tpu.memory_space<vmem>>) dst(%dma_wait3A_338 : memref<10240xf32, #tpu.memory_space<vmem_shared>>)
      %mul3A_339 = arith.constant 16 : i32
      %mul3A_340 = arith.muli %scan3A_50, %mul3A_339 : i32
      %add3A_341 = arith.constant 13 : i32
      %add3A_342 = arith.addi %mul3A_340, %add3A_341 : i32
      %dma_wait3A_343 = arith.constant 0 : i32
      %dma_wait3A_344 = arith.constant 0 : i32
      %dma_wait3A_345 = tpu.memref_slice %arg6[%dma_wait3A_343, %add3A_342, %dma_wait3A_344] : memref<2x80x128xi32, #tpu.memory_space<vmem>> -> memref<1x1x128xi32, #tpu.memory_space<vmem>>
      %dma_wait3A_346 = tpu.memref_squeeze %dma_wait3A_345 : memref<1x1x128xi32, #tpu.memory_space<vmem>> -> memref<128xi32, #tpu.memory_space<vmem>>
      %dma_wait3A_347 = arith.constant 0 : i32
      %dma_wait3A_348 = tpu.memref_slice %arg5[%dma_wait3A_347] : memref<10240xf32, #tpu.memory_space<vmem_shared>> -> memref<10240xf32, #tpu.memory_space<vmem_shared>>
      tpu.wait_indirect_dma semaphore(%arg8 : memref<!tpu.dma_semaphore, #tpu.memory_space<semaphore_mem>>) src(%arg7 : memref<128xf32, #tpu.memory_space<vmem>>) dst(%dma_wait3A_348 : memref<10240xf32, #tpu.memory_space<vmem_shared>>)
      %mul3A_349 = arith.constant 16 : i32
      %mul3A_350 = arith.muli %scan3A_50, %mul3A_349 : i32
      %add3A_351 = arith.constant 14 : i32
      %add3A_352 = arith.addi %mul3A_350, %add3A_351 : i32
      %dma_wait3A_353 = arith.constant 0 : i32
      %dma_wait3A_354 = arith.constant 0 : i32
      %dma_wait3A_355 = tpu.memref_slice %arg6[%dma_wait3A_353, %add3A_352, %dma_wait3A_354] : memref<2x80x128xi32, #tpu.memory_space<vmem>> -> memref<1x1x128xi32, #tpu.memory_space<vmem>>
      %dma_wait3A_356 = tpu.memref_squeeze %dma_wait3A_355 : memref<1x1x128xi32, #tpu.memory_space<vmem>> -> memref<128xi32, #tpu.memory_space<vmem>>
      %dma_wait3A_357 = arith.constant 0 : i32
      %dma_wait3A_358 = tpu.memref_slice %arg5[%dma_wait3A_357] : memref<10240xf32, #tpu.memory_space<vmem_shared>> -> memref<10240xf32, #tpu.memory_space<vmem_shared>>
      tpu.wait_indirect_dma semaphore(%arg8 : memref<!tpu.dma_semaphore, #tpu.memory_space<semaphore_mem>>) src(%arg7 : memref<128xf32, #tpu.memory_space<vmem>>) dst(%dma_wait3A_358 : memref<10240xf32, #tpu.memory_space<vmem_shared>>)
      %mul3A_359 = arith.constant 16 : i32
      %mul3A_360 = arith.muli %scan3A_50, %mul3A_359 : i32
      %add3A_361 = arith.constant 15 : i32
      %add3A_362 = arith.addi %mul3A_360, %add3A_361 : i32
      %dma_wait3A_363 = arith.constant 0 : i32
      %dma_wait3A_364 = arith.constant 0 : i32
      %dma_wait3A_365 = tpu.memref_slice %arg6[%dma_wait3A_363, %add3A_362, %dma_wait3A_364] : memref<2x80x128xi32, #tpu.memory_space<vmem>> -> memref<1x1x128xi32, #tpu.memory_space<vmem>>
      %dma_wait3A_366 = tpu.memref_squeeze %dma_wait3A_365 : memref<1x1x128xi32, #tpu.memory_space<vmem>> -> memref<128xi32, #tpu.memory_space<vmem>>
      %dma_wait3A_367 = arith.constant 0 : i32
      %dma_wait3A_368 = tpu.memref_slice %arg5[%dma_wait3A_367] : memref<10240xf32, #tpu.memory_space<vmem_shared>> -> memref<10240xf32, #tpu.memory_space<vmem_shared>>
      tpu.wait_indirect_dma semaphore(%arg8 : memref<!tpu.dma_semaphore, #tpu.memory_space<semaphore_mem>>) src(%arg7 : memref<128xf32, #tpu.memory_space<vmem>>) dst(%dma_wait3A_368 : memref<10240xf32, #tpu.memory_space<vmem_shared>>)
    }
    %scan3A_42 = arith.constant 5 : i32
    %barrier3A_43 = arith.constant 0 : index
    tpu.barrier barrier_id(%barrier3A_43)
    %mul3A_44 = arith.constant 10240 : i32
    %mul3A_45 = arith.muli %arg0, %mul3A_44 : i32
    %mul3A_46 = arith.constant 640 : i32
    %mul3A_47 = arith.muli %arg1, %mul3A_46 : i32
    %add3A_48 = arith.addi %mul3A_45, %mul3A_47 : i32
    %multiple_of3A_49 = tpu.assume_multiple %add3A_48, 640 : i32
    "tpu.region"() ({
      %run_scoped3A = tpu.sem_alloc : memref<!tpu.dma_semaphore, #tpu.memory_space<semaphore_mem>>
      %dma_start3A = tpu.memref_slice %arg4[%multiple_of3A_49] : memref<20480xf32, #tpu.memory_space<hbm>> -> memref<640xf32, #tpu.memory_space<hbm>>
      %dma_start3A_50 = tpu.memref_slice %arg5[%multiple_of3A_5] : memref<10240xf32, #tpu.memory_space<vmem_shared>> -> memref<640xf32, #tpu.memory_space<vmem_shared>>
      tpu.enqueue_dma source(%dma_start3A_50 : memref<640xf32, #tpu.memory_space<vmem_shared>>) target(%dma_start3A : memref<640xf32, #tpu.memory_space<hbm>>) target_semaphore(%run_scoped3A : memref<!tpu.dma_semaphore, #tpu.memory_space<semaphore_mem>>)
      %dma_wait3A = tpu.memref_slice %arg4[%multiple_of3A_49] : memref<20480xf32, #tpu.memory_space<hbm>> -> memref<640xf32, #tpu.memory_space<hbm>>
      %dma_wait3A_51 = tpu.memref_slice %arg5[%multiple_of3A_5] : memref<10240xf32, #tpu.memory_space<vmem_shared>> -> memref<640xf32, #tpu.memory_space<vmem_shared>>
      tpu.wait_dma2 semaphore(%run_scoped3A : memref<!tpu.dma_semaphore, #tpu.memory_space<semaphore_mem>>) src(%dma_wait3A_51 : memref<640xf32, #tpu.memory_space<vmem_shared>>) dst(%dma_wait3A : memref<640xf32, #tpu.memory_space<hbm>>)
      tpu.yield
    }) : () -> ()
    return
  }
}

module attributes {stable_mosaic.version = 14 : i64} {
  func.func @_mm_body(%arg0: memref<10000x128xf32, #tpu.memory_space<vmem>>, %arg1: memref<128x128xf32, #tpu.memory_space<vmem>>, %arg2: memref<20480xf32, #tpu.memory_space<vmem>>, %arg3: memref<10752x128xf32, #tpu.memory_space<vmem>>) attributes {dimension_semantics = [], scalar_prefetch = 0 : i64, scratch_operands = 0 : i64, tpu.core_type = #tpu.core_type<tc>} {
    %get3A = arith.constant 0 : index
    %get3A_0 = vector.load %arg2[%get3A] : memref<20480xf32, #tpu.memory_space<vmem>>, vector<10000xf32>
    %get3A_1 = arith.constant 10240 : index
    %get3A_2 = vector.load %arg2[%get3A_1] : memref<20480xf32, #tpu.memory_space<vmem>>, vector<10000xf32>
    %add3A = arith.addf %get3A_0, %get3A_2 : vector<10000xf32>
    %max3A = arith.constant 1.000000e+00 : f32
    %max3A_3 = vector.broadcast %max3A : f32 to vector<10000xf32>
    %max3A_4 = arith.maximumf %add3A, %max3A_3 : vector<10000xf32>
    %rsqrt3A = math.rsqrt %max3A_4 : vector<10000xf32>
    %broadcast_in_dim3A = vector.shape_cast %rsqrt3A : vector<10000xf32> to vector<10000x1xf32>
    %get3A_5 = arith.constant 0 : index
    %get3A_6 = arith.constant 0 : index
    %get3A_7 = vector.load %arg0[%get3A_5, %get3A_6] : memref<10000x128xf32, #tpu.memory_space<vmem>>, vector<10000x128xf32>
    %get3A_8 = arith.constant 0 : index
    %get3A_9 = arith.constant 0 : index
    %get3A_10 = vector.load %arg1[%get3A_8, %get3A_9] : memref<128x128xf32, #tpu.memory_space<vmem>>, vector<128x128xf32>
    %dot_general3A = arith.constant dense<0.000000e+00> : vector<10000x128xf32>
    %dot_general3A_11 = tpu.matmul %get3A_7, %get3A_10, %dot_general3A {dimension_numbers = #tpu.dot_dimension_numbers<[1], [0], [0], [1], [0, 0, 1, 1], [], []>, transpose_lhs_hint = false} : vector<10000x128xf32>, vector<128x128xf32>, vector<10000x128xf32> -> vector<10000x128xf32>
    %mul3A = vector.broadcast %broadcast_in_dim3A : vector<10000x1xf32> to vector<10000x128xf32>
    %mul3A_12 = arith.mulf %dot_general3A_11, %mul3A : vector<10000x128xf32>
    %swap3A = arith.constant 0 : index
    %swap3A_13 = arith.constant 0 : index
    %swap3A_14 = vector.load %arg3[%swap3A, %swap3A_13] : memref<10752x128xf32, #tpu.memory_space<vmem>>, vector<10000x128xf32>
    tpu.vector_store %arg3[%swap3A, %swap3A_13], %mul3A_12 {strides = array<i32>} : memref<10752x128xf32, #tpu.memory_space<vmem>>, vector<10000x128xf32>,
    %broadcast_in_dim3A_15 = arith.constant 0.000000e+00 : f32
    %broadcast_in_dim3A_16 = vector.broadcast %broadcast_in_dim3A_15 : f32 to vector<752x128xf32>
    %swap3A_17 = arith.constant 10000 : index
    %swap3A_18 = arith.constant 0 : index
    %swap3A_19 = vector.load %arg3[%swap3A_17, %swap3A_18] : memref<10752x128xf32, #tpu.memory_space<vmem>>, vector<752x128xf32>
    tpu.vector_store %arg3[%swap3A_17, %swap3A_18], %broadcast_in_dim3A_16 {strides = array<i32>} : memref<10752x128xf32, #tpu.memory_space<vmem>>, vector<752x128xf32>,
    return
  }
}

module attributes {stable_mosaic.version = 14 : i64} {
  func.func @_fin_body(%arg0: memref<2x10112x128xf32, #tpu.memory_space<vmem>>, %arg1: memref<20480xf32, #tpu.memory_space<vmem>>, %arg2: memref<1x128xf32, #tpu.memory_space<vmem>>, %arg3: memref<10000x128xf32, #tpu.memory_space<vmem>>) attributes {dimension_semantics = [], scalar_prefetch = 0 : i64, scratch_operands = 0 : i64, tpu.core_type = #tpu.core_type<tc>} {
    %get3A = arith.constant 0 : index
    %get3A_0 = arith.constant 0 : index
    %get3A_1 = arith.constant 0 : index
    %get3A_2 = vector.load %arg0[%get3A, %get3A_0, %get3A_1] : memref<2x10112x128xf32, #tpu.memory_space<vmem>>, vector<1x10000x128xf32>
    %get3A_3 = vector.shape_cast %get3A_2 : vector<1x10000x128xf32> to vector<10000x128xf32>
    %get3A_4 = arith.constant 1 : index
    %get3A_5 = arith.constant 0 : index
    %get3A_6 = arith.constant 0 : index
    %get3A_7 = vector.load %arg0[%get3A_4, %get3A_5, %get3A_6] : memref<2x10112x128xf32, #tpu.memory_space<vmem>>, vector<1x10000x128xf32>
    %get3A_8 = vector.shape_cast %get3A_7 : vector<1x10000x128xf32> to vector<10000x128xf32>
    %add3A = arith.addf %get3A_3, %get3A_8 : vector<10000x128xf32>
    %get3A_9 = arith.constant 0 : index
    %get3A_10 = vector.load %arg1[%get3A_9] : memref<20480xf32, #tpu.memory_space<vmem>>, vector<10000xf32>
    %get3A_11 = arith.constant 10240 : index
    %get3A_12 = vector.load %arg1[%get3A_11] : memref<20480xf32, #tpu.memory_space<vmem>>, vector<10000xf32>
    %add3A_13 = arith.addf %get3A_10, %get3A_12 : vector<10000xf32>
    %max3A = arith.constant 1.000000e+00 : f32
    %max3A_14 = vector.broadcast %max3A : f32 to vector<10000xf32>
    %max3A_15 = arith.maximumf %add3A_13, %max3A_14 : vector<10000xf32>
    %rsqrt3A = math.rsqrt %max3A_15 : vector<10000xf32>
    %broadcast_in_dim3A = vector.shape_cast %rsqrt3A : vector<10000xf32> to vector<10000x1xf32>
    %mul3A = vector.broadcast %broadcast_in_dim3A : vector<10000x1xf32> to vector<10000x128xf32>
    %mul3A_16 = arith.mulf %add3A, %mul3A : vector<10000x128xf32>
    %get3A_17 = arith.constant 0 : index
    %get3A_18 = arith.constant 0 : index
    %get3A_19 = vector.load %arg2[%get3A_17, %get3A_18] : memref<1x128xf32, #tpu.memory_space<vmem>>, vector<1x128xf32>
    %add3A_20 = vector.broadcast %get3A_19 : vector<1x128xf32> to vector<10000x128xf32>
    %add3A_21 = arith.addf %mul3A_16, %add3A_20 : vector<10000x128xf32>
    %swap3A = arith.constant 0 : index
    %swap3A_22 = arith.constant 0 : index
    %swap3A_23 = vector.load %arg3[%swap3A, %swap3A_22] : memref<10000x128xf32, #tpu.memory_space<vmem>>, vector<10000x128xf32>
    tpu.vector_store %arg3[%swap3A, %swap3A_22], %add3A_21 {strides = array<i32>} : memref<10000x128xf32, #tpu.memory_space<vmem>>, vector<10000x128xf32>,
    return
  }
}

</mosaic_0001>

<sc_bundles>
// kernel: kernel.6.cloned.1.call-start
scs
__scs_entry_jumppad:
0x0: {  	(pc) =	sbr.rel $0x88, $3  }
0x1: {  	(tag) =	ssettag $0x0;
	lr =	simm.s32 $0x1  }
0x2: {  	[smem:$0x3F9D] =	sst lr;
	_ =	strace $0xD0000000  }
0x3: {  	_ = 	snop  }
0x4: {  	_ = 	snop  }
0x5: {  	_ = 	snop  }
0x6: {  	_ = 	snop  }
0x7: {  	_ = 	snop  }
__scs_overlays_trampoline_lowered:
0x8: {  	[smem:$0x3FAC] =	sst s0  }
0x9: {  	[smem:$0x3FAD] =	sst s1  }
0xa: {  	[smem:$0x3FAE] =	sst s2  }
0xb: {  	[smem:$0x3FAF] =	sst s3  }
0xc: {  	[smem:$0x3FB0] =	sst s4  }
0xd: {  	[smem:$0x3FB1] =	sst s5  }
0xe: {  	[smem:$0x3FB2] =	sst s6  }
0xf: {  	[smem:$0x3FB3] =	sst s7  }
0x10: {  	[smem:$0x3FB4] =	sst s8  }
0x11: {  	[smem:$0x3FB5] =	sst s9;
	s0 =	simm.s32 @!p0 $0x0  }
0x12: {  	s1 =	sld [smem:$0x3F9B];
	s0 =	simm.s32 @p0 $0x1  }
0x13: {  	[smem:$0x3FB6] =	sst s0;
	s0 =	simm.s32 @!p1 $0x0  }
0x14: {  	s2 =	sld [smem:$0x3F9A];
	s0 =	simm.s32 @p1 $0x1  }
0x15: {  	[smem:$0x3FB7] =	sst s0;
	s0 =	simm.s32 @!p2 $0x0  }
0x16: {  	s3 =	sld [smem:$0x3FDB];
	s0 =	simm.s32 @p2 $0x1  }
0x17: {  	s4 =	simm.s32 $0x1BF5;
	[smem:$0x3FB9] =	sst s0  }
0x18: {  	s0 =	sld [smem:$0x3F9C];
	_ =	swait.ge [sflag:s4], $0x0  }
0x19: {  	s7 =	sld [smem:$0x3F9D]  }
0x1a: {  	s8 =	sadd.s32 $0xFFFFE003, lr  }
0x1b: {  	s9 =	sadd.s32 $0xFFFFFEF7, lr;
	s5 =	simm.s32 $0xFFFFFFFF;
	p2 =	slt.u32 s8, $0xFFFFF086  }
0x1c: {  	p1 =	slt.u32 s9, $0xF7A;
	s5 =	simm.s32 @!p2 $0x0  }
0x1d: {  	s5 =	simm.s32 @p1 $0x1;
	p0 =	seq.s32 s7, s2  }
0x1e: {  	s7 =	smul.u32 @!p0 $0xF7A, s2;
	p2 =	seq.s32 @!p0 s5, $0x0  }
0x1f: {  	s9 =	smul.u32 $0xF7A, s1;
	s8 =	simm.s32 @!p0 $0x1BF5;
	p2 =	por !p2, p0  }
0x20: {  	[sflag:s8] =	ssyncset.s32 @!p0 $0xFFFFF086;
	s6 =	sadd.s32 @!p0 s3, s7;
	s7 =	simm.s32 @!p0 $0x108  }
0x21: {  	s3 =	sadd.s32 s3, s9;
	s6 =	sadd.s32 @!p0 $0x88, s6;
	s7 =	simm.s32 @p2 $0x1082  }
0x22: {  	[simem:s7], [sflag:s8] =	dma.local @!p0 [hbm:s6], $0xF7A  }
0x23: {  	s9 =	sor.u32 $0xD0000000, s2;
	s6 =	simm.s32 $0x108;
	_ =	swait.ge @!p0 [sflag:s8], $0x0  }
0x24: {  	s3 =	sadd.s32 $0x88, s3;
	s6 =	simm.s32 @!p1 $0x1082;
	[sflag:s4] =	ssyncset.s32 $0xFFFFF086  }
0x25: {  	[simem:s6], [sflag:s4] =	dma.local [hbm:s3], $0xF7A  }
0x26: {  	[smem:$0x3F9D] =	sst s1;
	(tag) =	ssettag s2;
	_ =	strace s9  }
0x27: {  	s1 =	sld [smem:$0x3FAD]  }
0x28: {  	s2 =	sld [smem:$0x3FAE]  }
0x29: {  	s4 =	sld [smem:$0x3FB0]  }
0x2a: {  	p0 =	seq.s32 s5, $0x0;
	s5 =	sld [smem:$0x3FB1]  }
0x2b: {  	s6 =	sld [smem:$0x3FB2]  }
0x2c: {  	s7 =	sld [smem:$0x3FB3]  }
0x2d: {  	s3 =	simm.s32 $0x108;
	s8 =	sld [smem:$0x3FB4]  }
0x2e: {  	s3 =	simm.s32 @!p0 $0x1082;
	s9 =	sld [smem:$0x3FB5]  }
0x2f: {  	lr =	sadd.s32 s0, s3;
	s0 =	sld [smem:$0x3FAC]  }
0x30: {  	s3 =	sld [smem:$0x3FAF]  }
0x31: {  	[smem:$0x3FB8] =	sst s10  }
0x32: {  	s10 =	sld [smem:$0x3FB6];
	_ =	sdelay $0x3  }
0x33: {  	p0 =	seq.s32 s10, $0x1;
	s10 =	sld [smem:$0x3FB8];
	_ =	sdelay $0x3  }
0x34: {  	[smem:$0x3FB8] =	sst s10  }
0x35: {  	s10 =	sld [smem:$0x3FB7];
	_ =	sdelay $0x3  }
0x36: {  	p1 =	seq.s32 s10, $0x1;
	s10 =	sld [smem:$0x3FB8];
	_ =	sdelay $0x3  }
0x37: {  	[smem:$0x3FB8] =	sst s10  }
0x38: {  	s10 =	sld [smem:$0x3FB9]  }
0x39: {  	_ = 	snop;
	(pc) =	sbr.ind lr, $3  }
0x3a: {  	_ = 	snop  }
0x3b: {  	_ = 	snop  }
0x3c: {  	p2 =	seq.s32 s10, $0x1;
	s10 =	sld [smem:$0x3FB8]  }
0x3d: {  	_ =	shalt  }
0x3e: {  	_ =	shalt  }
0x3f: {  	_ =	shalt  }
0x40: {  	_ =	shalt  }
0x41: {  	_ =	shalt  }
0x42: {  	_ =	shalt  }
0x43: {  	_ =	shalt  }
0x44: {  	_ =	shalt  }
0x45: {  	_ =	shalt  }
0x46: {  	_ =	shalt  }
0x47: {  	_ =	shalt  }
0x48: {  	_ =	shalt  }
0x49: {  	_ =	shalt  }
0x4a: {  	_ =	shalt  }
0x4b: {  	_ =	shalt  }
0x4c: {  	_ =	shalt  }
0x4d: {  	_ =	shalt  }
0x4e: {  	_ =	shalt  }
0x4f: {  	_ =	shalt  }
0x50: {  	_ =	shalt  }
0x51: {  	_ =	shalt  }
0x52: {  	_ =	shalt  }
0x53: {  	_ =	shalt  }
0x54: {  	_ =	shalt  }
0x55: {  	_ =	shalt  }
0x56: {  	_ =	shalt  }
0x57: {  	_ =	shalt  }
0x58: {  	_ =	shalt  }
0x59: {  	_ =	shalt  }
0x5a: {  	_ =	shalt  }
0x5b: {  	_ =	shalt  }
0x5c: {  	_ =	shalt  }
0x5d: {  	_ =	shalt  }
0x5e: {  	_ =	shalt  }
0x5f: {  	_ =	shalt  }
0x60: {  	_ =	shalt  }
0x61: {  	_ =	shalt  }
0x62: {  	_ =	shalt  }
0x63: {  	_ =	shalt  }
0x64: {  	_ =	shalt  }
0x65: {  	_ =	shalt  }
0x66: {  	_ =	shalt  }
0x67: {  	_ =	shalt  }
0x68: {  	_ =	shalt  }
0x69: {  	_ =	shalt  }
0x6a: {  	_ =	shalt  }
0x6b: {  	_ =	shalt  }
0x6c: {  	_ =	shalt  }
0x6d: {  	_ =	shalt  }
0x6e: {  	_ =	shalt  }
0x6f: {  	_ =	shalt  }
0x70: {  	_ =	shalt  }
0x71: {  	_ =	shalt  }
0x72: {  	_ =	shalt  }
0x73: {  	_ =	shalt  }
0x74: {  	_ =	shalt  }
0x75: {  	_ =	shalt  }
0x76: {  	_ =	shalt  }
0x77: {  	_ =	shalt  }
0x78: {  	_ =	shalt  }
0x79: {  	_ =	shalt  }
0x7a: {  	_ =	shalt  }
0x7b: {  	_ =	shalt  }
0x7c: {  	_ =	shalt  }
0x7d: {  	_ =	shalt  }
0x7e: {  	_ =	shalt  }
0x7f: {  	_ =	shalt  }
0x80: {  	_ =	shalt  }
0x81: {  	_ =	shalt  }
0x82: {  	_ =	shalt  }
0x83: {  	_ =	shalt  }
0x84: {  	_ =	shalt  }
0x85: {  	_ =	shalt  }
0x86: {  	_ =	shalt  }
0x87: {  	_ =	shalt  }
.Lfunc_end0:
.L_simem_size_0:
called_computation_lowered:
.L_overlay_start_0:
0x88: {  	s2 =	sld [smem:$0x3FD9]  }
0x89: {  	s3 =	sld [smem:$0x3FFE];
	_ =	sdelay $0x1  }
0x8a: {  	s1 =	srdreg.scid  }
0x8b: {  	s0 =	sand.u32 $0x1, s1  }
0x8c: {  	s17 =	sshll.u32 s0, $0xA;
	s2 =	sadd.s32 s3, s2  }
0x8d: {  	s2 =	sadd.s32 s2, s17  }
0x8e: {  	[smem:$0x3FC4] =	sst s2  }
0x8f: {  	_ = 	snop  }
0x90: {  	s2 =	sld [smem:$0x3FD0];
	(tm) =	ssettm $0x1  }
0x91: {  	s18 =	sld [smem:$0x3FFB];
	_ =	sdelay $0x3  }
0x92: {  	_ =	strace s18  }
0x93: {  	s3 =	sld [smem:$0x3FFC];
	_ =	sdelay $0x3  }
0x94: {  	_ =	strace s3  }
0x95: {  	s3 =	sld [smem:$0x3FFD];
	_ =	sdelay $0x3  }
0x96: {  	_ =	strace s3  }
0x97: {  	_ =	strace $0x8FFFFFFF  }
0x98: {  	s19 =	sld [smem:$0x3FDB];
	_ =	sdelay $0x1  }
0x99: {  	s4 =	simm.s32 $_scs_section_size  }
0x9a: {  	s5 =	simm.s32 $_size__tile_overlayer_lowered;
	s6 =	simm.s32 $_tile_overlayer_lowered  }
0x9b: {  	s22 =	simm.s32 $0x1BFF;
	s21 =	sshll.u32 s6, $0x1;
	s3 =	sadd.s32 s4, s19  }
0x9c: {  	s7 =	simm.s32 $0x0;
	s20 =	sshll.u32 s5, $0x1;
	s5 =	sadd.s32 s21, s3  }
0x9d: {  	[timem:s7], [sflag:s22] =	dma.local [hbm:s5], s20  }
0x9e: {  	_ =	swait.ge [sflag:s22], s20  }
0x9f: {  	s4 =	ssub.s32 $0x0, s20;
	[sflag:s22] =	ssyncset.done $0x0  }
0xa0: {  	[sflag:s22] =	ssyncadd.s32 s4;
	_ =	sdelay $0x1  }
0xa1: {  	s23 =	simm.s32 $0x1B8B  }
0xa2: {  	_ =	swait.ge [sflag:s23], $0x1  }
0xa3: {  	[sflag:s23] =	ssyncset.done $0x0  }
0xa4: {  	s25 =	simm.s32 $0x1B8E;
	s24 =	sld [smem:$0x3FFE];
	[sflag:s23] =	ssyncadd.s32 $0xFFFFFFFF  }
0xa5: {  	s26 =	simm.s32 $execute0_lowered;
	[smem:$0x3FD2] =	sst s25  }
0xa6: {  	s5 =	sshll.u32 s26, $0x1;
	_ =	strace $0x80000046;
	[dreg:$0x1] =	wrdreg $0xFFFFFFFF  }
0xa7: {  	s28 =	simm.s32 $_size_execute0_lowered;
	s3 =	sadd.s32 s3, s5;
	[dreg:$0x0] =	wrdreg $0x0  }
0xa8: {  	s5 =	sshll.u32 s28, $0x1;
	[dreg:$0x2] =	wrdreg s3  }
0xa9: {  	[dreg:$0x3] =	wrdreg s5  }
0xaa: {  	[dreg:$0x4] =	wrdreg $0xC0  }
0xab: {  	_ =	task [dreg:s7], $0x5FFFF  }
0xac: {  	[dreg:$0x1] =	wrdreg $0xFFFFFFFF  }
0xad: {  	[dreg:$0x0] =	wrdreg $0x60  }
0xae: {  	[dreg:$0x2] =	wrdreg s2  }
0xaf: {  	[dreg:$0x3] =	wrdreg s24  }
0xb0: {  	[dreg:$0x4] =	wrdreg $0x0  }
0xb1: {  	[dreg:$0x5] =	wrdreg $0x9  }
0xb2: {  	_ =	task.clear_ibuf [dreg:s7], $0x6FFFF;
	_ =	strace $0x90000046  }
0xb3: {  	s29 =	simm.s32 $0x9;
	_ =	strace $0x80000048  }
0xb4: {  	_ =	swait.ge [sflag:s29], $0x1  }
0xb5: {  	[sflag:s29] =	ssyncadd.s32 $0xFFFFFFFF  }
0xb6: {  	_ =	strace $0x90000048  }
0xb7: {  	_ =	sfence  }
0xb8: {  	s30 =	sld [smem:$0x0];
	_ =	sdelay $0x2  }
0xb9: {  	s31 =	sshll.u32 s1, $0xD;
	s1 =	sshrl.u32 s1, $0x2  }
0xba: {  	s3 =	sand.u32 $0x4000, s31;
	s1 =	sadd.s32 s1, s30  }
0xbb: {  	s0 =	sor.u32 s3, s0;
	s1 =	sshll.u32 s1, $0x11  }
0xbc: {  	s0 =	sor.u32 s1, s0  }
0xbd: {  	s0 =	sadd.s32 $0x8F2B, s0  }
0xbe: {  	[sflag:s0] =	ssyncadd.remote.s32 $0x1  }
0xbf: {  	_ =	sfence.sel $0xFFFF  }
0xc0: {  	[dreg:$0x0] =	wrdreg $0xFFFFFFFF;
	(pc) =	sbr.abs _section_cstart, $3  }
0xc1: {  	[dreg:$0x1] =	wrdreg $0xFFFFFFFF  }
0xc2: {  	_ =	task.clear_ibuf [dreg:s7], $0x2FFFF;
	_ =	strace $0x9FFFFFFF  }
0xc3: {  	(tm) =	ssettm $0x7FFFFFFF  }
tec
execute0_lowered:
.L_overlay_start_1:
0x0: {  	(tag) =	ssettag $0x1  }
0x1: {  	s5 =	rddreg [dreg:$0x0]  }
0x2: {  	s6 =	rddreg [dreg:$0x1];
	s1 =	srdreg.scid  }
0x3: {  	s0 =	stileid.u32;
	s2 =	rddreg [dreg:$0x2];
	s3 =	simm.s32 $0x0  }
0x4: {  	s11 =	simm.s32 $0x2;
	s14 =	simm.s32 $0x80;
	s15 =	simm.s32 $0x5280  }
0x5: {  	s16 =	simm.s32 $0x1;
	s4 =	sand.u32 $0x1, s1;
	s1 =	rddreg [dreg:$0x3]  }
0x6: {  	s7 =	smul.u32 $0x280, s0;
	[smem:$0x7FF] =	sst s3;
	s9 =	sshll.u32 s0, $0x1  }
0x7: {  	s12 =	sshll.u32 s0, $0x6;
	s8 =	smul.u32 $0x2800, s4;
	_ =	strace $0x80000047  }
0x8: {  	s9 =	sor.u32 s4, s9;
	s10 =	ssub.s32 $0x2, s4;
	s4 =	sadd.s32 $0x1C00, s6  }
0x9: {  	s12 =	sor.u32 $0x1C02, s12;
	s9 =	smul.u32 $0x500, s9;
	s13 =	sadd.s32 s7, s2  }
0xa: {  	s31 =	sshrl.u32 s10, $0x1;
	s8 =	sadd.s32 s7, s8;
	s13 =	sshrl.u32 s13, $0x3  }
0xb: {  	s8 =	sshrl.u32 s8, $0x3;
	s5 =	sadd.s32 s5, s9;
	s9 =	simm.s32 $0x50000  }
0xc: {  	s6 =	sadd.s32 s8, s6;
	s8 =	ssub.s32 s10, s31;
	s10 =	simm.s32 $0x280  }
0xd: {  	v0 =	vimm.f32 $1.000000000e+00;
	s6 =	sadd.s32 $0x2200, s6;
	s7 =	smax.u32 s8, $0x1;
	s8 =	simm.s32 $0x2800  }
.LBB2_1:
0xe: {  	[tilespmem:$0x5280] =	vst v0  }
0xf: {  	[tilespmem:$0x5290] =	vst v0  }
0x10: {  	[tilespmem:$0x52A0] =	vst v0  }
0x11: {  	[tilespmem:$0x52B0] =	vst v0  }
0x12: {  	[tilespmem:$0x52C0] =	vst v0  }
0x13: {  	[tilespmem:$0x52D0] =	vst v0  }
0x14: {  	[tilespmem:$0x52E0] =	vst v0  }
0x15: {  	[tilespmem:$0x52F0] =	vst v0  }
0x16: {  	[tilespmem:s10], [sflag:$0x2] =	stream.strided.gather [hbm4b:s5+s8], $0x5000, s9, s8, $0x38;
	[tilespmem:$0x5300] =	vst v63  }
0x17: {  	_ =	swait.ge [sflag:s11], $0x5000  }
0x18: {  	[sflag:s11] =	ssyncset.done $0x0  }
0x19: {  	[sflag:s11] =	ssyncadd.s32 $0xFFFFB000  }
0x1a: {  	[spmem:s13], [sflag:s12] =	dma.local [hbm:s4], $0x50  }
0x1b: {  	_ =	swait.ge [sflag:s11], $0x50  }
0x1c: {  	[sflag:s11] =	ssyncset.done $0x0  }
0x1d: {  	[sflag:s11] =	ssyncadd.s32 $0xFFFFFFB0  }
0x1e: {  	s17 =	simm.s32 $0x280;
	[bflag:$0x0] =	sbarrier.arrive $0xFFFF  }
0x1f: {  	[spmem:s2] =	stream.indirect.scatter.add.f32 [tilespmem:s15], [sflag:$0x1], $0x1, s17, s14, $0xb8;
	[tilespmem:$0x5300] =	vst v63  }
0x20: {  	s30 =	simm.s32 $0x300  }
0x21: {  	[spmem:s2] =	stream.indirect.scatter.add.f32 [tilespmem:s15], [sflag:$0x1], $0x1, s30, s14, $0xb8;
	[tilespmem:$0x5300] =	vst v63  }
0x22: {  	s31 =	simm.s32 $0x380  }
0x23: {  	[spmem:s2] =	stream.indirect.scatter.add.f32 [tilespmem:s15], [sflag:$0x1], $0x1, s31, s14, $0xb8;
	[tilespmem:$0x5300] =	vst v63  }
0x24: {  	s18 =	simm.s32 $0x400  }
0x25: {  	[spmem:s2] =	stream.indirect.scatter.add.f32 [tilespmem:s15], [sflag:$0x1], $0x1, s18, s14, $0xb8;
	[tilespmem:$0x5300] =	vst v63  }
0x26: {  	s19 =	simm.s32 $0x480  }
0x27: {  	[spmem:s2] =	stream.indirect.scatter.add.f32 [tilespmem:s15], [sflag:$0x1], $0x1, s19, s14, $0xb8;
	[tilespmem:$0x5300] =	vst v63  }
0x28: {  	s20 =	simm.s32 $0x500  }
0x29: {  	[spmem:s2] =	stream.indirect.scatter.add.f32 [tilespmem:s15], [sflag:$0x1], $0x1, s20, s14, $0xb8;
	[tilespmem:$0x5300] =	vst v63  }
0x2a: {  	s21 =	simm.s32 $0x580  }
0x2b: {  	[spmem:s2] =	stream.indirect.scatter.add.f32 [tilespmem:s15], [sflag:$0x1], $0x1, s21, s14, $0xb8;
	[tilespmem:$0x5300] =	vst v63  }
0x2c: {  	s22 =	simm.s32 $0x600  }
0x2d: {  	[spmem:s2] =	stream.indirect.scatter.add.f32 [tilespmem:s15], [sflag:$0x1], $0x1, s22, s14, $0xb8;
	[tilespmem:$0x5300] =	vst v63  }
0x2e: {  	s23 =	simm.s32 $0x680  }
0x2f: {  	[spmem:s2] =	stream.indirect.scatter.add.f32 [tilespmem:s15], [sflag:$0x1], $0x1, s23, s14, $0xb8;
	[tilespmem:$0x5300] =	vst v63  }
0x30: {  	s24 =	simm.s32 $0x700  }
0x31: {  	[spmem:s2] =	stream.indirect.scatter.add.f32 [tilespmem:s15], [sflag:$0x1], $0x1, s24, s14, $0xb8;
	[tilespmem:$0x5300] =	vst v63  }
0x32: {  	s25 =	simm.s32 $0x780  }
0x33: {  	[spmem:s2] =	stream.indirect.scatter.add.f32 [tilespmem:s15], [sflag:$0x1], $0x1, s25, s14, $0xb8;
	[tilespmem:$0x5300] =	vst v63  }
0x34: {  	s26 =	simm.s32 $0x800  }
0x35: {  	[spmem:s2] =	stream.indirect.scatter.add.f32 [tilespmem:s15], [sflag:$0x1], $0x1, s26, s14, $0xb8;
	[tilespmem:$0x5300] =	vst v63  }
0x36: {  	s28 =	simm.s32 $0x880  }
0x37: {  	[spmem:s2] =	stream.indirect.scatter.add.f32 [tilespmem:s15], [sflag:$0x1], $0x1, s28, s14, $0xb8;
	[tilespmem:$0x5300] =	vst v63  }
0x38: {  	s29 =	simm.s32 $0x900  }
0x39: {  	[spmem:s2] =	stream.indirect.scatter.add.f32 [tilespmem:s15], [sflag:$0x1], $0x1, s29, s14, $0xb8;
	[tilespmem:$0x5300] =	vst v63  }
0x3a: {  	s30 =	simm.s32 $0x980  }
0x3b: {  	[spmem:s2] =	stream.indirect.scatter.add.f32 [tilespmem:s15], [sflag:$0x1], $0x1, s30, s14, $0xb8;
	[tilespmem:$0x5300] =	vst v63  }
0x3c: {  	s31 =	simm.s32 $0xA00  }
0x3d: {  	[spmem:s2] =	stream.indirect.scatter.add.f32 [tilespmem:s15], [sflag:$0x1], $0x1, s31, s14, $0xb8;
	[tilespmem:$0x5300] =	vst v63  }
0x3e: {  	_ =	swait.ge [sflag:s16], $0x80  }
0x3f: {  	[sflag:s16] =	ssyncset.done $0x0  }
0x40: {  	[sflag:s16] =	ssyncadd.s32 $0xFFFFFF80  }
0x41: {  	_ =	swait.ge [sflag:s16], $0x80  }
0x42: {  	[sflag:s16] =	ssyncset.done $0x0  }
0x43: {  	[sflag:s16] =	ssyncadd.s32 $0xFFFFFF80  }
0x44: {  	_ =	swait.ge [sflag:s16], $0x80  }
0x45: {  	[sflag:s16] =	ssyncset.done $0x0  }
0x46: {  	[sflag:s16] =	ssyncadd.s32 $0xFFFFFF80  }
0x47: {  	_ =	swait.ge [sflag:s16], $0x80  }
0x48: {  	[sflag:s16] =	ssyncset.done $0x0  }
0x49: {  	[sflag:s16] =	ssyncadd.s32 $0xFFFFFF80  }
0x4a: {  	_ =	swait.ge [sflag:s16], $0x80  }
0x4b: {  	[sflag:s16] =	ssyncset.done $0x0  }
0x4c: {  	[sflag:s16] =	ssyncadd.s32 $0xFFFFFF80  }
0x4d: {  	_ =	swait.ge [sflag:s16], $0x80  }
0x4e: {  	[sflag:s16] =	ssyncset.done $0x0  }
0x4f: {  	[sflag:s16] =	ssyncadd.s32 $0xFFFFFF80  }
0x50: {  	_ =	swait.ge [sflag:s16], $0x80  }
0x51: {  	[sflag:s16] =	ssyncset.done $0x0  }
0x52: {  	[sflag:s16] =	ssyncadd.s32 $0xFFFFFF80  }
0x53: {  	_ =	swait.ge [sflag:s16], $0x80  }
0x54: {  	[sflag:s16] =	ssyncset.done $0x0  }
0x55: {  	[sflag:s16] =	ssyncadd.s32 $0xFFFFFF80  }
0x56: {  	_ =	swait.ge [sflag:s16], $0x80  }
0x57: {  	[sflag:s16] =	ssyncset.done $0x0  }
0x58: {  	[sflag:s16] =	ssyncadd.s32 $0xFFFFFF80  }
0x59: {  	_ =	swait.ge [sflag:s16], $0x80  }
0x5a: {  	[sflag:s16] =	ssyncset.done $0x0  }
0x5b: {  	[sflag:s16] =	ssyncadd.s32 $0xFFFFFF80  }
0x5c: {  	_ =	swait.ge [sflag:s16], $0x80  }
0x5d: {  	[sflag:s16] =	ssyncset.done $0x0  }
0x5e: {  	[sflag:s16] =	ssyncadd.s32 $0xFFFFFF80  }
0x5f: {  	_ =	swait.ge [sflag:s16], $0x80  }
0x60: {  	[sflag:s16] =	ssyncset.done $0x0  }
0x61: {  	[sflag:s16] =	ssyncadd.s32 $0xFFFFFF80  }
0x62: {  	_ =	swait.ge [sflag:s16], $0x80  }
0x63: {  	[sflag:s16] =	ssyncset.done $0x0  }
0x64: {  	[sflag:s16] =	ssyncadd.s32 $0xFFFFFF80  }
0x65: {  	_ =	swait.ge [sflag:s16], $0x80  }
0x66: {  	[sflag:s16] =	ssyncset.done $0x0  }
0x67: {  	[sflag:s16] =	ssyncadd.s32 $0xFFFFFF80  }
0x68: {  	_ =	swait.ge [sflag:s16], $0x80  }
0x69: {  	[sflag:s16] =	ssyncset.done $0x0  }
0x6a: {  	[sflag:s16] =	ssyncadd.s32 $0xFFFFFF80  }
0x6b: {  	_ =	swait.ge [sflag:s16], $0x80  }
0x6c: {  	s19 =	simm.s32 $0x800;
	s20 =	simm.s32 $0x4000;
	[sflag:s16] =	ssyncset.done $0x0  }
.LBB2_2:
0x6d: {  	s21 =	sadd.s32 $0x280, s19  }
0x6e: {  	[sflag:s16] =	ssyncadd.s32 $0xFFFFFF80;
	s18 =	smov.u32 s20;
	s17 =	sadd.s32 $0x2000, s20  }
0x6f: {  	[spmem:s2] =	stream.indirect.scatter.add.f32 [tilespmem:s15], [sflag:$0x1], $0x1, s21, s14, $0xb8;
	[tilespmem:$0x5300] =	vst v63  }
0x70: {  	p0 =	sne.s32 s20, $0x8000;
	s20 =	sadd.s32 $0x300, s19  }
0x71: {  	[spmem:s2] =	stream.indirect.scatter.add.f32 [tilespmem:s15], [sflag:$0x1], $0x1, s20, s14, $0xb8;
	[tilespmem:$0x5300] =	vst v63  }
0x72: {  	s20 =	sadd.s32 $0x380, s19  }
0x73: {  	[spmem:s2] =	stream.indirect.scatter.add.f32 [tilespmem:s15], [sflag:$0x1], $0x1, s20, s14, $0xb8;
	[tilespmem:$0x5300] =	vst v63  }
0x74: {  	s20 =	sadd.s32 $0x400, s19  }
0x75: {  	[spmem:s2] =	stream.indirect.scatter.add.f32 [tilespmem:s15], [sflag:$0x1], $0x1, s20, s14, $0xb8;
	[tilespmem:$0x5300] =	vst v63  }
0x76: {  	s20 =	sadd.s32 $0x480, s19  }
0x77: {  	[spmem:s2] =	stream.indirect.scatter.add.f32 [tilespmem:s15], [sflag:$0x1], $0x1, s20, s14, $0xb8;
	[tilespmem:$0x5300] =	vst v63  }
0x78: {  	s20 =	sadd.s32 $0x500, s19  }
0x79: {  	[spmem:s2] =	stream.indirect.scatter.add.f32 [tilespmem:s15], [sflag:$0x1], $0x1, s20, s14, $0xb8;
	[tilespmem:$0x5300] =	vst v63  }
0x7a: {  	s20 =	sadd.s32 $0x580, s19  }
0x7b: {  	[spmem:s2] =	stream.indirect.scatter.add.f32 [tilespmem:s15], [sflag:$0x1], $0x1, s20, s14, $0xb8;
	[tilespmem:$0x5300] =	vst v63  }
0x7c: {  	s20 =	sadd.s32 $0x600, s19  }
0x7d: {  	[spmem:s2] =	stream.indirect.scatter.add.f32 [tilespmem:s15], [sflag:$0x1], $0x1, s20, s14, $0xb8;
	[tilespmem:$0x5300] =	vst v63  }
0x7e: {  	s20 =	sadd.s32 $0x680, s19  }
0x7f: {  	[spmem:s2] =	stream.indirect.scatter.add.f32 [tilespmem:s15], [sflag:$0x1], $0x1, s20, s14, $0xb8;
	[tilespmem:$0x5300] =	vst v63  }
0x80: {  	s20 =	sadd.s32 $0x700, s19  }
0x81: {  	[spmem:s2] =	stream.indirect.scatter.add.f32 [tilespmem:s15], [sflag:$0x1], $0x1, s20, s14, $0xb8;
	[tilespmem:$0x5300] =	vst v63  }
0x82: {  	s20 =	sadd.s32 $0x780, s19  }
0x83: {  	[spmem:s2] =	stream.indirect.scatter.add.f32 [tilespmem:s15], [sflag:$0x1], $0x1, s20, s14, $0xb8;
	[tilespmem:$0x5300] =	vst v63  }
0x84: {  	s20 =	sadd.s32 $0x800, s19  }
0x85: {  	[spmem:s2] =	stream.indirect.scatter.add.f32 [tilespmem:s15], [sflag:$0x1], $0x1, s20, s14, $0xb8;
	[tilespmem:$0x5300] =	vst v63  }
0x86: {  	s20 =	sadd.s32 $0x880, s19  }
0x87: {  	[spmem:s2] =	stream.indirect.scatter.add.f32 [tilespmem:s15], [sflag:$0x1], $0x1, s20, s14, $0xb8;
	[tilespmem:$0x5300] =	vst v63  }
0x88: {  	s20 =	sadd.s32 $0x900, s19  }
0x89: {  	[spmem:s2] =	stream.indirect.scatter.add.f32 [tilespmem:s15], [sflag:$0x1], $0x1, s20, s14, $0xb8;
	[tilespmem:$0x5300] =	vst v63  }
0x8a: {  	s20 =	sadd.s32 $0x980, s19  }
0x8b: {  	[spmem:s2] =	stream.indirect.scatter.add.f32 [tilespmem:s15], [sflag:$0x1], $0x1, s20, s14, $0xb8;
	[tilespmem:$0x5300] =	vst v63  }
0x8c: {  	s19 =	sadd.s32 $0xA00, s19  }
0x8d: {  	[spmem:s2] =	stream.indirect.scatter.add.f32 [tilespmem:s15], [sflag:$0x1], $0x1, s19, s14, $0xb8;
	[tilespmem:$0x5300] =	vst v63  }
0x8e: {  	_ =	swait.ge [sflag:s16], $0x80  }
0x8f: {  	[sflag:s16] =	ssyncset.done $0x0  }
0x90: {  	[sflag:s16] =	ssyncadd.s32 $0xFFFFFF80  }
0x91: {  	_ =	swait.ge [sflag:s16], $0x80  }
0x92: {  	[sflag:s16] =	ssyncset.done $0x0  }
0x93: {  	[sflag:s16] =	ssyncadd.s32 $0xFFFFFF80  }
0x94: {  	_ =	swait.ge [sflag:s16], $0x80  }
0x95: {  	[sflag:s16] =	ssyncset.done $0x0  }
0x96: {  	[sflag:s16] =	ssyncadd.s32 $0xFFFFFF80  }
0x97: {  	_ =	swait.ge [sflag:s16], $0x80  }
0x98: {  	[sflag:s16] =	ssyncset.done $0x0  }
0x99: {  	[sflag:s16] =	ssyncadd.s32 $0xFFFFFF80  }
0x9a: {  	_ =	swait.ge [sflag:s16], $0x80  }
0x9b: {  	[sflag:s16] =	ssyncset.done $0x0  }
0x9c: {  	[sflag:s16] =	ssyncadd.s32 $0xFFFFFF80  }
0x9d: {  	_ =	swait.ge [sflag:s16], $0x80  }
0x9e: {  	[sflag:s16] =	ssyncset.done $0x0  }
0x9f: {  	[sflag:s16] =	ssyncadd.s32 $0xFFFFFF80  }
0xa0: {  	_ =	swait.ge [sflag:s16], $0x80  }
0xa1: {  	[sflag:s16] =	ssyncset.done $0x0  }
0xa2: {  	[sflag:s16] =	ssyncadd.s32 $0xFFFFFF80  }
0xa3: {  	_ =	swait.ge [sflag:s16], $0x80  }
0xa4: {  	[sflag:s16] =	ssyncset.done $0x0  }
0xa5: {  	[sflag:s16] =	ssyncadd.s32 $0xFFFFFF80  }
0xa6: {  	_ =	swait.ge [sflag:s16], $0x80  }
0xa7: {  	[sflag:s16] =	ssyncset.done $0x0  }
0xa8: {  	[sflag:s16] =	ssyncadd.s32 $0xFFFFFF80  }
0xa9: {  	_ =	swait.ge [sflag:s16], $0x80  }
0xaa: {  	[sflag:s16] =	ssyncset.done $0x0  }
0xab: {  	[sflag:s16] =	ssyncadd.s32 $0xFFFFFF80  }
0xac: {  	_ =	swait.ge [sflag:s16], $0x80  }
0xad: {  	[sflag:s16] =	ssyncset.done $0x0  }
0xae: {  	[sflag:s16] =	ssyncadd.s32 $0xFFFFFF80  }
0xaf: {  	_ =	swait.ge [sflag:s16], $0x80  }
0xb0: {  	[sflag:s16] =	ssyncset.done $0x0  }
0xb1: {  	[sflag:s16] =	ssyncadd.s32 $0xFFFFFF80  }
0xb2: {  	_ =	swait.ge [sflag:s16], $0x80  }
0xb3: {  	[sflag:s16] =	ssyncset.done $0x0  }
0xb4: {  	[sflag:s16] =	ssyncadd.s32 $0xFFFFFF80  }
0xb5: {  	_ =	swait.ge [sflag:s16], $0x80  }
0xb6: {  	[sflag:s16] =	ssyncset.done $0x0  }
0xb7: {  	[sflag:s16] =	ssyncadd.s32 $0xFFFFFF80  }
.Ltmp0:
0xb8: {  	_ =	swait.ge [sflag:s16], $0x80;
	(pc) =	sbr.rel @p0 .LBB2_2-.Ltmp0, $4  }
0xb9: {  	[sflag:s16] =	ssyncset.done $0x0  }
0xba: {  	[sflag:s16] =	ssyncadd.s32 $0xFFFFFF80  }
0xbb: {  	_ =	swait.ge [sflag:s16], $0x80  }
0xbc: {  	s20 =	smov.u32 s17;
	s19 =	sshra.s32 s18, $0x2;
	[sflag:s16] =	ssyncset.done $0x0  }
0xbd: {  	s17 =	sadd.s32 $0x280, s19;
	[sflag:s16] =	ssyncadd.s32 $0xFFFFFF80  }
0xbe: {  	[spmem:s2] =	stream.indirect.scatter.add.f32 [tilespmem:s15], [sflag:$0x1], $0x1, s17, s14, $0xb8;
	[tilespmem:$0x5300] =	vst v63  }
0xbf: {  	s29 =	sadd.s32 $0x300, s19  }
0xc0: {  	[spmem:s2] =	stream.indirect.scatter.add.f32 [tilespmem:s15], [sflag:$0x1], $0x1, s29, s14, $0xb8;
	[tilespmem:$0x5300] =	vst v63  }
0xc1: {  	s30 =	sadd.s32 $0x380, s19  }
0xc2: {  	[spmem:s2] =	stream.indirect.scatter.add.f32 [tilespmem:s15], [sflag:$0x1], $0x1, s30, s14, $0xb8;
	[tilespmem:$0x5300] =	vst v63  }
0xc3: {  	s31 =	sadd.s32 $0x400, s19  }
0xc4: {  	[spmem:s2] =	stream.indirect.scatter.add.f32 [tilespmem:s15], [sflag:$0x1], $0x1, s31, s14, $0xb8;
	[tilespmem:$0x5300] =	vst v63  }
0xc5: {  	s18 =	sadd.s32 $0x480, s19  }
0xc6: {  	[spmem:s2] =	stream.indirect.scatter.add.f32 [tilespmem:s15], [sflag:$0x1], $0x1, s18, s14, $0xb8;
	[tilespmem:$0x5300] =	vst v63  }
0xc7: {  	s20 =	sadd.s32 $0x500, s19  }
0xc8: {  	[spmem:s2] =	stream.indirect.scatter.add.f32 [tilespmem:s15], [sflag:$0x1], $0x1, s20, s14, $0xb8;
	[tilespmem:$0x5300] =	vst v63  }
0xc9: {  	s21 =	sadd.s32 $0x580, s19  }
0xca: {  	[spmem:s2] =	stream.indirect.scatter.add.f32 [tilespmem:s15], [sflag:$0x1], $0x1, s21, s14, $0xb8;
	[tilespmem:$0x5300] =	vst v63  }
0xcb: {  	s22 =	sadd.s32 $0x600, s19  }
0xcc: {  	[spmem:s2] =	stream.indirect.scatter.add.f32 [tilespmem:s15], [sflag:$0x1], $0x1, s22, s14, $0xb8;
	[tilespmem:$0x5300] =	vst v63  }
0xcd: {  	s23 =	sadd.s32 $0x680, s19  }
0xce: {  	[spmem:s2] =	stream.indirect.scatter.add.f32 [tilespmem:s15], [sflag:$0x1], $0x1, s23, s14, $0xb8;
	[tilespmem:$0x5300] =	vst v63  }
0xcf: {  	s24 =	sadd.s32 $0x700, s19  }
0xd0: {  	[spmem:s2] =	stream.indirect.scatter.add.f32 [tilespmem:s15], [sflag:$0x1], $0x1, s24, s14, $0xb8;
	[tilespmem:$0x5300] =	vst v63  }
0xd1: {  	s25 =	sadd.s32 $0x780, s19  }
0xd2: {  	[spmem:s2] =	stream.indirect.scatter.add.f32 [tilespmem:s15], [sflag:$0x1], $0x1, s25, s14, $0xb8;
	[tilespmem:$0x5300] =	vst v63  }
0xd3: {  	s26 =	sadd.s32 $0x800, s19  }
0xd4: {  	[spmem:s2] =	stream.indirect.scatter.add.f32 [tilespmem:s15], [sflag:$0x1], $0x1, s26, s14, $0xb8;
	[tilespmem:$0x5300] =	vst v63  }
0xd5: {  	s28 =	sadd.s32 $0x880, s19  }
0xd6: {  	[spmem:s2] =	stream.indirect.scatter.add.f32 [tilespmem:s15], [sflag:$0x1], $0x1, s28, s14, $0xb8;
	[tilespmem:$0x5300] =	vst v63  }
0xd7: {  	s29 =	sadd.s32 $0x900, s19  }
0xd8: {  	[spmem:s2] =	stream.indirect.scatter.add.f32 [tilespmem:s15], [sflag:$0x1], $0x1, s29, s14, $0xb8;
	[tilespmem:$0x5300] =	vst v63  }
0xd9: {  	s30 =	sadd.s32 $0x980, s19  }
0xda: {  	[spmem:s2] =	stream.indirect.scatter.add.f32 [tilespmem:s15], [sflag:$0x1], $0x1, s30, s14, $0xb8;
	[tilespmem:$0x5300] =	vst v63  }
0xdb: {  	s31 =	sadd.s32 $0xA00, s19  }
0xdc: {  	[spmem:s2] =	stream.indirect.scatter.add.f32 [tilespmem:s15], [sflag:$0x1], $0x1, s31, s14, $0xb8;
	[tilespmem:$0x5300] =	vst v63  }
0xdd: {  	_ =	swait.ge [sflag:s16], $0x80  }
0xde: {  	[sflag:s16] =	ssyncset.done $0x0  }
0xdf: {  	[sflag:s16] =	ssyncadd.s32 $0xFFFFFF80  }
0xe0: {  	_ =	swait.ge [sflag:s16], $0x80  }
0xe1: {  	[sflag:s16] =	ssyncset.done $0x0  }
0xe2: {  	[sflag:s16] =	ssyncadd.s32 $0xFFFFFF80  }
0xe3: {  	_ =	swait.ge [sflag:s16], $0x80  }
0xe4: {  	[sflag:s16] =	ssyncset.done $0x0  }
0xe5: {  	[sflag:s16] =	ssyncadd.s32 $0xFFFFFF80  }
0xe6: {  	_ =	swait.ge [sflag:s16], $0x80  }
0xe7: {  	[sflag:s16] =	ssyncset.done $0x0  }
0xe8: {  	[sflag:s16] =	ssyncadd.s32 $0xFFFFFF80  }
0xe9: {  	_ =	swait.ge [sflag:s16], $0x80  }
0xea: {  	[sflag:s16] =	ssyncset.done $0x0  }
0xeb: {  	[sflag:s16] =	ssyncadd.s32 $0xFFFFFF80  }
0xec: {  	_ =	swait.ge [sflag:s16], $0x80  }
0xed: {  	[sflag:s16] =	ssyncset.done $0x0  }
0xee: {  	[sflag:s16] =	ssyncadd.s32 $0xFFFFFF80  }
0xef: {  	_ =	swait.ge [sflag:s16], $0x80  }
0xf0: {  	[sflag:s16] =	ssyncset.done $0x0  }
0xf1: {  	[sflag:s16] =	ssyncadd.s32 $0xFFFFFF80  }
0xf2: {  	_ =	swait.ge [sflag:s16], $0x80  }
0xf3: {  	[sflag:s16] =	ssyncset.done $0x0  }
0xf4: {  	[sflag:s16] =	ssyncadd.s32 $0xFFFFFF80  }
0xf5: {  	_ =	swait.ge [sflag:s16], $0x80  }
0xf6: {  	[sflag:s16] =	ssyncset.done $0x0  }
0xf7: {  	[sflag:s16] =	ssyncadd.s32 $0xFFFFFF80  }
0xf8: {  	_ =	swait.ge [sflag:s16], $0x80  }
0xf9: {  	[sflag:s16] =	ssyncset.done $0x0  }
0xfa: {  	[sflag:s16] =	ssyncadd.s32 $0xFFFFFF80  }
0xfb: {  	_ =	swait.ge [sflag:s16], $0x80  }
0xfc: {  	[sflag:s16] =	ssyncset.done $0x0  }
0xfd: {  	[sflag:s16] =	ssyncadd.s32 $0xFFFFFF80  }
0xfe: {  	_ =	swait.ge [sflag:s16], $0x80  }
0xff: {  	[sflag:s16] =	ssyncset.done $0x0  }
0x100: {  	[sflag:s16] =	ssyncadd.s32 $0xFFFFFF80  }
0x101: {  	_ =	swait.ge [sflag:s16], $0x80  }
0x102: {  	[sflag:s16] =	ssyncset.done $0x0  }
0x103: {  	[sflag:s16] =	ssyncadd.s32 $0xFFFFFF80  }
0x104: {  	_ =	swait.ge [sflag:s16], $0x80  }
0x105: {  	[sflag:s16] =	ssyncset.done $0x0  }
0x106: {  	[sflag:s16] =	ssyncadd.s32 $0xFFFFFF80  }
0x107: {  	_ =	swait.ge [sflag:s16], $0x80  }
0x108: {  	[sflag:s16] =	ssyncset.done $0x0  }
0x109: {  	[sflag:s16] =	ssyncadd.s32 $0xFFFFFF80  }
0x10a: {  	_ =	swait.ge [sflag:s16], $0x80  }
0x10b: {  	s3 =	sadd.s32 $0x1, s3;
	[sflag:s16] =	ssyncset.done $0x0  }
0x10c: {  	p0 =	sne.s32 s3, s7;
	[sflag:s16] =	ssyncadd.s32 $0xFFFFFF80  }
.Ltmp1:
0x10d: {  	[bflag:$0x0] =	sbarrier.arrive $0xFFFF;
	(pc) =	sbr.rel @p0 .LBB2_1-.Ltmp1, $4  }
0x10e: {  	[hbm:s6], [sflag:s12] =	dma.local [spmem:s13], $0x50  }
0x10f: {  	_ =	swait.ge [sflag:s11], $0x50  }
0x110: {  	[sflag:s11] =	ssyncset.done $0x0  }
0x111: {  	[sflag:s11] =	ssyncadd.s32 $0xFFFFFFB0  }
0x112: {  	_ =	sfence.sel $0x180000  }
0x113: {  	[bflag:$0x0] =	sbarrier.arrive $0xFFFF  }
0x114: {  	p0 =	sne.s32 s0, $0x0;
	_ =	strace $0x90000047  }
0x115: {  	s0 =	sadd.s32 @!p0 $0x100000, s1;
	[bflag:$0x2] =	sbarrier.arrive $0xFFFF  }
0x116: {  	[sflag:s0] =	ssyncadd.tile.s32 @!p0 $0x1;
	_ =	shalt  }
.Lfunc_end2:
_tile_overlayer_lowered:
.L_overlay_start_2:
0x117: {  	(tag) =	ssettag $0x2  }
0x118: {  	s0 =	rddreg [dreg:$0x0];
	s2 =	stileid.u32  }
0x119: {  	s1 =	rddreg [dreg:$0x1];
	p0 =	sne.s32 s2, $0x0  }
0x11a: {  	s3 =	rddreg [dreg:$0x2];
	[bflag:$0x3] =	sbarrier.arrive $0xFFFF;
	s2 =	simm.s32 @!p0 $0x1C02  }
0x11b: {  	[timem:s3], [sflag:s2] =	dma.local @!p0 [hbm:s0], s1  }
0x11c: {  	s0 =	simm.s32 @!p0 $0x2  }
0x11d: {  	_ =	swait.ge @!p0 [sflag:s0], s1  }
0x11e: {  	s1 =	ssub.s32 @!p0 $0x0, s1;
	[sflag:s0] =	ssyncset.done @!p0 $0x0  }
0x11f: {  	[sflag:s0] =	ssyncadd.s32 @!p0 s1  }
0x120: {  	[bflag:$0x3] =	sbarrier.arrive $0xFFFF  }
0x121: {  	_ =	shalt  }

// kernel: kernel.9.cloned.1.call-start
scs
__scs_entry_jumppad:
0x0: {  	(pc) =	sbr.rel $0x88, $3  }
0x1: {  	(tag) =	ssettag $0x0;
	lr =	simm.s32 $0x1  }
0x2: {  	[smem:$0x3F9D] =	sst lr;
	_ =	strace $0xD0000000  }
0x3: {  	_ = 	snop  }
0x4: {  	_ = 	snop  }
0x5: {  	_ = 	snop  }
0x6: {  	_ = 	snop  }
0x7: {  	_ = 	snop  }
__scs_overlays_trampoline_lowered:
0x8: {  	[smem:$0x3FAC] =	sst s0  }
0x9: {  	[smem:$0x3FAD] =	sst s1  }
0xa: {  	[smem:$0x3FAE] =	sst s2  }
0xb: {  	[smem:$0x3FAF] =	sst s3  }
0xc: {  	[smem:$0x3FB0] =	sst s4  }
0xd: {  	[smem:$0x3FB1] =	sst s5  }
0xe: {  	[smem:$0x3FB2] =	sst s6  }
0xf: {  	[smem:$0x3FB3] =	sst s7  }
0x10: {  	[smem:$0x3FB4] =	sst s8  }
0x11: {  	[smem:$0x3FB5] =	sst s9;
	s0 =	simm.s32 @!p0 $0x0  }
0x12: {  	s1 =	sld [smem:$0x3F9B];
	s0 =	simm.s32 @p0 $0x1  }
0x13: {  	[smem:$0x3FB6] =	sst s0;
	s0 =	simm.s32 @!p1 $0x0  }
0x14: {  	s2 =	sld [smem:$0x3F9A];
	s0 =	simm.s32 @p1 $0x1  }
0x15: {  	[smem:$0x3FB7] =	sst s0;
	s0 =	simm.s32 @!p2 $0x0  }
0x16: {  	s3 =	sld [smem:$0x3FDB];
	s0 =	simm.s32 @p2 $0x1  }
0x17: {  	s4 =	simm.s32 $0x1BF5;
	[smem:$0x3FB9] =	sst s0  }
0x18: {  	s0 =	sld [smem:$0x3F9C];
	_ =	swait.ge [sflag:s4], $0x0  }
0x19: {  	s7 =	sld [smem:$0x3F9D]  }
0x1a: {  	s8 =	sadd.s32 $0xFFFFE003, lr  }
0x1b: {  	s9 =	sadd.s32 $0xFFFFFEF7, lr;
	s5 =	simm.s32 $0xFFFFFFFF;
	p2 =	slt.u32 s8, $0xFFFFF086  }
0x1c: {  	p1 =	slt.u32 s9, $0xF7A;
	s5 =	simm.s32 @!p2 $0x0  }
0x1d: {  	s5 =	simm.s32 @p1 $0x1;
	p0 =	seq.s32 s7, s2  }
0x1e: {  	s7 =	smul.u32 @!p0 $0xF7A, s2;
	p2 =	seq.s32 @!p0 s5, $0x0  }
0x1f: {  	s9 =	smul.u32 $0xF7A, s1;
	s8 =	simm.s32 @!p0 $0x1BF5;
	p2 =	por !p2, p0  }
0x20: {  	[sflag:s8] =	ssyncset.s32 @!p0 $0xFFFFF086;
	s6 =	sadd.s32 @!p0 s3, s7;
	s7 =	simm.s32 @!p0 $0x108  }
0x21: {  	s3 =	sadd.s32 s3, s9;
	s6 =	sadd.s32 @!p0 $0x88, s6;
	s7 =	simm.s32 @p2 $0x1082  }
0x22: {  	[simem:s7], [sflag:s8] =	dma.local @!p0 [hbm:s6], $0xF7A  }
0x23: {  	s9 =	sor.u32 $0xD0000000, s2;
	s6 =	simm.s32 $0x108;
	_ =	swait.ge @!p0 [sflag:s8], $0x0  }
0x24: {  	s3 =	sadd.s32 $0x88, s3;
	s6 =	simm.s32 @!p1 $0x1082;
	[sflag:s4] =	ssyncset.s32 $0xFFFFF086  }
0x25: {  	[simem:s6], [sflag:s4] =	dma.local [hbm:s3], $0xF7A  }
0x26: {  	[smem:$0x3F9D] =	sst s1;
	(tag) =	ssettag s2;
	_ =	strace s9  }
0x27: {  	s1 =	sld [smem:$0x3FAD]  }
0x28: {  	s2 =	sld [smem:$0x3FAE]  }
0x29: {  	s4 =	sld [smem:$0x3FB0]  }
0x2a: {  	p0 =	seq.s32 s5, $0x0;
	s5 =	sld [smem:$0x3FB1]  }
0x2b: {  	s6 =	sld [smem:$0x3FB2]  }
0x2c: {  	s7 =	sld [smem:$0x3FB3]  }
0x2d: {  	s3 =	simm.s32 $0x108;
	s8 =	sld [smem:$0x3FB4]  }
0x2e: {  	s3 =	simm.s32 @!p0 $0x1082;
	s9 =	sld [smem:$0x3FB5]  }
0x2f: {  	lr =	sadd.s32 s0, s3;
	s0 =	sld [smem:$0x3FAC]  }
0x30: {  	s3 =	sld [smem:$0x3FAF]  }
0x31: {  	[smem:$0x3FB8] =	sst s10  }
0x32: {  	s10 =	sld [smem:$0x3FB6];
	_ =	sdelay $0x3  }
0x33: {  	p0 =	seq.s32 s10, $0x1;
	s10 =	sld [smem:$0x3FB8];
	_ =	sdelay $0x3  }
0x34: {  	[smem:$0x3FB8] =	sst s10  }
0x35: {  	s10 =	sld [smem:$0x3FB7];
	_ =	sdelay $0x3  }
0x36: {  	p1 =	seq.s32 s10, $0x1;
	s10 =	sld [smem:$0x3FB8];
	_ =	sdelay $0x3  }
0x37: {  	[smem:$0x3FB8] =	sst s10  }
0x38: {  	s10 =	sld [smem:$0x3FB9]  }
0x39: {  	_ = 	snop;
	(pc) =	sbr.ind lr, $3  }
0x3a: {  	_ = 	snop  }
0x3b: {  	_ = 	snop  }
0x3c: {  	p2 =	seq.s32 s10, $0x1;
	s10 =	sld [smem:$0x3FB8]  }
0x3d: {  	_ =	shalt  }
0x3e: {  	_ =	shalt  }
0x3f: {  	_ =	shalt  }
0x40: {  	_ =	shalt  }
0x41: {  	_ =	shalt  }
0x42: {  	_ =	shalt  }
0x43: {  	_ =	shalt  }
0x44: {  	_ =	shalt  }
0x45: {  	_ =	shalt  }
0x46: {  	_ =	shalt  }
0x47: {  	_ =	shalt  }
0x48: {  	_ =	shalt  }
0x49: {  	_ =	shalt  }
0x4a: {  	_ =	shalt  }
0x4b: {  	_ =	shalt  }
0x4c: {  	_ =	shalt  }
0x4d: {  	_ =	shalt  }
0x4e: {  	_ =	shalt  }
0x4f: {  	_ =	shalt  }
0x50: {  	_ =	shalt  }
0x51: {  	_ =	shalt  }
0x52: {  	_ =	shalt  }
0x53: {  	_ =	shalt  }
0x54: {  	_ =	shalt  }
0x55: {  	_ =	shalt  }
0x56: {  	_ =	shalt  }
0x57: {  	_ =	shalt  }
0x58: {  	_ =	shalt  }
0x59: {  	_ =	shalt  }
0x5a: {  	_ =	shalt  }
0x5b: {  	_ =	shalt  }
0x5c: {  	_ =	shalt  }
0x5d: {  	_ =	shalt  }
0x5e: {  	_ =	shalt  }
0x5f: {  	_ =	shalt  }
0x60: {  	_ =	shalt  }
0x61: {  	_ =	shalt  }
0x62: {  	_ =	shalt  }
0x63: {  	_ =	shalt  }
0x64: {  	_ =	shalt  }
0x65: {  	_ =	shalt  }
0x66: {  	_ =	shalt  }
0x67: {  	_ =	shalt  }
0x68: {  	_ =	shalt  }
0x69: {  	_ =	shalt  }
0x6a: {  	_ =	shalt  }
0x6b: {  	_ =	shalt  }
0x6c: {  	_ =	shalt  }
0x6d: {  	_ =	shalt  }
0x6e: {  	_ =	shalt  }
0x6f: {  	_ =	shalt  }
0x70: {  	_ =	shalt  }
0x71: {  	_ =	shalt  }
0x72: {  	_ =	shalt  }
0x73: {  	_ =	shalt  }
0x74: {  	_ =	shalt  }
0x75: {  	_ =	shalt  }
0x76: {  	_ =	shalt  }
0x77: {  	_ =	shalt  }
0x78: {  	_ =	shalt  }
0x79: {  	_ =	shalt  }
0x7a: {  	_ =	shalt  }
0x7b: {  	_ =	shalt  }
0x7c: {  	_ =	shalt  }
0x7d: {  	_ =	shalt  }
0x7e: {  	_ =	shalt  }
0x7f: {  	_ =	shalt  }
0x80: {  	_ =	shalt  }
0x81: {  	_ =	shalt  }
0x82: {  	_ =	shalt  }
0x83: {  	_ =	shalt  }
0x84: {  	_ =	shalt  }
0x85: {  	_ =	shalt  }
0x86: {  	_ =	shalt  }
0x87: {  	_ =	shalt  }
.Lfunc_end0:
.L_simem_size_0:
called_computation.1_lowered:
.L_overlay_start_0:
0x88: {  	s2 =	sld [smem:$0x3FD9]  }
0x89: {  	s3 =	sld [smem:$0x3FFE];
	_ =	sdelay $0x1  }
0x8a: {  	s1 =	srdreg.scid  }
0x8b: {  	s0 =	sand.u32 $0x1, s1  }
0x8c: {  	s17 =	sshll.u32 s0, $0xA;
	s2 =	sadd.s32 s3, s2  }
0x8d: {  	s2 =	sadd.s32 s2, s17  }
0x8e: {  	[smem:$0x3FC4] =	sst s2  }
0x8f: {  	_ = 	snop  }
0x90: {  	s2 =	sld [smem:$0x3FD0];
	(tm) =	ssettm $0x1  }
0x91: {  	s18 =	sld [smem:$0x3FFB];
	_ =	sdelay $0x3  }
0x92: {  	_ =	strace s18  }
0x93: {  	s3 =	sld [smem:$0x3FFC];
	_ =	sdelay $0x3  }
0x94: {  	_ =	strace s3  }
0x95: {  	s3 =	sld [smem:$0x3FFD];
	_ =	sdelay $0x3  }
0x96: {  	_ =	strace s3  }
0x97: {  	_ =	strace $0x8FFFFFFF  }
0x98: {  	s19 =	sld [smem:$0x3FDB];
	_ =	sdelay $0x1  }
0x99: {  	s4 =	simm.s32 $_scs_section_size  }
0x9a: {  	s5 =	simm.s32 $_size__tile_overlayer_lowered;
	s6 =	simm.s32 $_tile_overlayer_lowered  }
0x9b: {  	s22 =	simm.s32 $0x1BFF;
	s21 =	sshll.u32 s6, $0x1;
	s3 =	sadd.s32 s4, s19  }
0x9c: {  	s7 =	simm.s32 $0x0;
	s20 =	sshll.u32 s5, $0x1;
	s5 =	sadd.s32 s21, s3  }
0x9d: {  	[timem:s7], [sflag:s22] =	dma.local [hbm:s5], s20  }
0x9e: {  	_ =	swait.ge [sflag:s22], s20  }
0x9f: {  	s4 =	ssub.s32 $0x0, s20;
	[sflag:s22] =	ssyncset.done $0x0  }
0xa0: {  	[sflag:s22] =	ssyncadd.s32 s4;
	_ =	sdelay $0x1  }
0xa1: {  	s23 =	simm.s32 $0x1B8B  }
0xa2: {  	_ =	swait.ge [sflag:s23], $0x1  }
0xa3: {  	[sflag:s23] =	ssyncset.done $0x0  }
0xa4: {  	s25 =	simm.s32 $0x1B8E;
	s24 =	sld [smem:$0x3FFE];
	[sflag:s23] =	ssyncadd.s32 $0xFFFFFFFF  }
0xa5: {  	s26 =	simm.s32 $execute0_lowered;
	[smem:$0x3FD2] =	sst s25  }
0xa6: {  	s5 =	sshll.u32 s26, $0x1;
	_ =	strace $0x80000049;
	[dreg:$0x1] =	wrdreg $0xFFFFFFFF  }
0xa7: {  	s28 =	simm.s32 $_size_execute0_lowered;
	s3 =	sadd.s32 s3, s5;
	[dreg:$0x0] =	wrdreg $0x0  }
0xa8: {  	s5 =	sshll.u32 s28, $0x1;
	[dreg:$0x2] =	wrdreg s3  }
0xa9: {  	[dreg:$0x3] =	wrdreg s5  }
0xaa: {  	[dreg:$0x4] =	wrdreg $0xC0  }
0xab: {  	_ =	task [dreg:s7], $0x5FFFF  }
0xac: {  	[dreg:$0x1] =	wrdreg $0xFFFFFFFF  }
0xad: {  	[dreg:$0x0] =	wrdreg $0x60  }
0xae: {  	[dreg:$0x2] =	wrdreg s24  }
0xaf: {  	[dreg:$0x3] =	wrdreg s2  }
0xb0: {  	[dreg:$0x4] =	wrdreg $0x0  }
0xb1: {  	[dreg:$0x5] =	wrdreg $0x9  }
0xb2: {  	_ =	task.clear_ibuf [dreg:s7], $0x6FFFF;
	_ =	strace $0x90000049  }
0xb3: {  	s29 =	simm.s32 $0x9;
	_ =	strace $0x8000004B  }
0xb4: {  	_ =	swait.ge [sflag:s29], $0x1  }
0xb5: {  	[sflag:s29] =	ssyncadd.s32 $0xFFFFFFFF  }
0xb6: {  	_ =	strace $0x9000004B  }
0xb7: {  	_ =	sfence  }
0xb8: {  	s30 =	sld [smem:$0x0];
	_ =	sdelay $0x2  }
0xb9: {  	s31 =	sshll.u32 s1, $0xD;
	s1 =	sshrl.u32 s1, $0x2  }
0xba: {  	s3 =	sand.u32 $0x4000, s31;
	s1 =	sadd.s32 s1, s30  }
0xbb: {  	s0 =	sor.u32 s3, s0;
	s1 =	sshll.u32 s1, $0x11  }
0xbc: {  	s0 =	sor.u32 s1, s0  }
0xbd: {  	s0 =	sadd.s32 $0x8F2B, s0  }
0xbe: {  	[sflag:s0] =	ssyncadd.remote.s32 $0x1  }
0xbf: {  	_ =	sfence.sel $0xFFFF  }
0xc0: {  	[dreg:$0x0] =	wrdreg $0xFFFFFFFF;
	(pc) =	sbr.abs _section_cstart, $3  }
0xc1: {  	[dreg:$0x1] =	wrdreg $0xFFFFFFFF  }
0xc2: {  	_ =	task.clear_ibuf [dreg:s7], $0x2FFFF;
	_ =	strace $0x9FFFFFFF  }
0xc3: {  	(tm) =	ssettm $0x7FFFFFFF  }
tec
execute0_lowered:
.L_overlay_start_1:
0x0: {  	(tag) =	ssettag $0x1  }
0x1: {  	s6 =	rddreg [dreg:$0x0]  }
0x2: {  	s7 =	rddreg [dreg:$0x1]  }
0x3: {  	s2 =	rddreg [dreg:$0x2];
	s3 =	srdreg.scid  }
0x4: {  	s0 =	rddreg [dreg:$0x3];
	s1 =	stileid.u32  }
0x5: {  	s16 =	simm.s32 $0x80;
	s17 =	simm.s32 $0x16400;
	s18 =	simm.s32 $0x13C80  }
0x6: {  	s19 =	simm.s32 $0x1A400;
	s20 =	simm.s32 $0x1;
	s21 =	simm.s32 $0x2  }
0x7: {  	s22 =	simm.s32 $0x16300;
	s23 =	simm.s32 $0x16380;
	s9 =	smul.u32 $0x13C00, s1  }
0x8: {  	s4 =	sand.u32 $0x1, s3;
	s3 =	simm.s32 $0x0;
	s11 =	smul.u32 $0x4F000, s1  }
0x9: {  	s8 =	sshll.u32 s1, $0x1;
	s14 =	sshll.u32 s1, $0x6;
	s5 =	smul.u32 $0x13C000, s4  }
0xa: {  	[smem:$0x7FF] =	sst s3;
	s8 =	sor.u32 s4, s8;
	s30 =	ssub.s32 $0x2, s4  }
0xb: {  	s4 =	sadd.s32 $0x1C00, s6;
	s14 =	sor.u32 $0x1C03, s14;
	s10 =	smul.u32 $0x500, s8  }
0xc: {  	_ =	strace $0x8000004A;
	s12 =	sshrl.u32 s30, $0x1;
	s8 =	smul.u32 $0x2800, s8  }
0xd: {  	s31 =	sshrl.u32 s11, $0x2;
	s11 =	simm.s32 $0x50000;
	s5 =	sadd.s32 s9, s5  }
0xe: {  	s9 =	ssub.s32 s30, s12;
	s15 =	sadd.s32 s31, s2;
	s12 =	simm.s32 $0x13C00  }
0xf: {  	s5 =	sshrl.u32 s5, $0x3;
	s8 =	sshrl.u32 s8, $0x3;
	s9 =	smax.u32 s9, $0x1  }
0x10: {  	s15 =	sshrl.u32 s15, $0x3;
	s13 =	sadd.s32 s5, s6;
	s5 =	sadd.s32 s7, s10  }
0x11: {  	s6 =	sadd.s32 $0x29400, s6;
	s7 =	sadd.s32 s7, s8;
	s10 =	simm.s32 $0x1400  }
0x12: {  	s7 =	sadd.s32 $0x280, s7;
	s8 =	sadd.s32 $0x2BC00, s13;
	s13 =	simm.s32 $0x3  }
.LBB2_1:
0x13: {  	[tilespmem:s12], [sflag:$0x3] =	stream.strided.gather [hbm4b:s5+s10], $0x2800, s11, s10, $0x38;
	[tilespmem:$0x1E400] =	vst v63  }
0x14: {  	_ =	swait.ge [sflag:s13], $0x2800  }
0x15: {  	[sflag:s13] =	ssyncset.done $0x0  }
0x16: {  	[sflag:s13] =	ssyncadd.s32 $0xFFFFD800  }
0x17: {  	[spmem:s15], [sflag:s14] =	dma.local [hbm:s6], $0x2780  }
0x18: {  	_ =	swait.ge [sflag:s13], $0x2780  }
0x19: {  	[sflag:s13] =	ssyncset.done $0x0  }
0x1a: {  	[sflag:s13] =	ssyncadd.s32 $0xFFFFD880  }
0x1b: {  	[bflag:$0x0] =	sbarrier.arrive $0xFFFF  }
0x1c: {  	[tilespmem:s17], [sflag:$0x1] =	stream.indirect.gather [hbm4b:s4+s16], $0x80, s12, s16, $0xb8;
	[tilespmem:$0x1E400] =	vst v63  }
0x1d: {  	_ = 	snop  }
0x1e: {  	[tilespmem:s19], [sflag:$0x2] =	stream.indirect.gather [hbm4b:s4+s16], $0x80, s18, s16, $0xb8;
	[tilespmem:$0x1E400] =	vst v63  }
0x1f: {  	_ =	swait.ge [sflag:s20], $0x4000  }
0x20: {  	[sflag:s20] =	ssyncset.done $0x0  }
0x21: {  	s24 =	simm.s32 $0x15000;
	[sflag:s20] =	ssyncadd.s32 $0xFFFFC000  }
0x22: {  	[spmem:s2] =	stream.indirect.scatter.add.f32 [tilespmem:s17], [sflag:$0x3], $0x80, s24, s16, $0xb8;
	[tilespmem:$0x1E400] =	vst v63  }
0x23: {  	_ =	swait.ge [sflag:s13], $0x4000  }
0x24: {  	[sflag:s13] =	ssyncset.done $0x0  }
0x25: {  	s30 =	simm.s32 $0x13D00;
	[sflag:s13] =	ssyncadd.s32 $0xFFFFC000  }
0x26: {  	[tilespmem:s17], [sflag:$0x1] =	stream.indirect.gather [hbm4b:s4+s16], $0x80, s30, s16, $0xb8;
	[tilespmem:$0x1E400] =	vst v63  }
0x27: {  	_ =	swait.ge [sflag:s21], $0x4000  }
0x28: {  	[sflag:s21] =	ssyncset.done $0x0  }
0x29: {  	s31 =	simm.s32 $0x15080;
	[sflag:s21] =	ssyncadd.s32 $0xFFFFC000  }
0x2a: {  	[spmem:s2] =	stream.indirect.scatter.add.f32 [tilespmem:s19], [sflag:$0x3], $0x80, s31, s16, $0xb8;
	[tilespmem:$0x1E400] =	vst v63  }
0x2b: {  	_ =	swait.ge [sflag:s13], $0x4000  }
0x2c: {  	[sflag:s13] =	ssyncset.done $0x0  }
0x2d: {  	s25 =	simm.s32 $0x13D80;
	s24 =	simm.s32 $0x800;
	[sflag:s13] =	ssyncadd.s32 $0xFFFFC000  }
.LBB2_2:
0x2e: {  	[tilespmem:s19], [sflag:$0x2] =	stream.indirect.gather [hbm4b:s4+s16], $0x80, s25, s16, $0xb8;
	[tilespmem:$0x1E400] =	vst v63  }
0x2f: {  	s25 =	smov.u32 s24  }
0x30: {  	p0 =	sne.s32 s24, $0x4C00;
	s24 =	sadd.s32 $0x400, s24;
	_ =	swait.ge [sflag:s20], $0x4000  }
0x31: {  	s25 =	sshra.s32 s25, $0x2;
	[sflag:s20] =	ssyncset.done $0x0  }
0x32: {  	s26 =	sadd.s32 $0x14F00, s25;
	[sflag:s20] =	ssyncadd.s32 $0xFFFFC000  }
0x33: {  	[spmem:s2] =	stream.indirect.scatter.add.f32 [tilespmem:s17], [sflag:$0x3], $0x80, s26, s16, $0xb8;
	[tilespmem:$0x1E400] =	vst v63  }
0x34: {  	_ =	swait.ge [sflag:s13], $0x4000  }
0x35: {  	[sflag:s13] =	ssyncset.done $0x0  }
0x36: {  	s26 =	sadd.s32 $0x13C00, s25;
	[sflag:s13] =	ssyncadd.s32 $0xFFFFC000  }
0x37: {  	[tilespmem:s17], [sflag:$0x1] =	stream.indirect.gather [hbm4b:s4+s16], $0x80, s26, s16, $0xb8;
	[tilespmem:$0x1E400] =	vst v63  }
0x38: {  	_ =	swait.ge [sflag:s21], $0x4000  }
0x39: {  	[sflag:s21] =	ssyncset.done $0x0  }
.Ltmp0:
0x3a: {  	s26 =	sadd.s32 $0x14F80, s25;
	[sflag:s21] =	ssyncadd.s32 $0xFFFFC000;
	(pc) =	sbr.rel @p0 .LBB2_2-.Ltmp0, $4  }
0x3b: {  	[spmem:s2] =	stream.indirect.scatter.add.f32 [tilespmem:s19], [sflag:$0x3], $0x80, s26, s16, $0xb8;
	[tilespmem:$0x1E400] =	vst v63  }
0x3c: {  	_ =	swait.ge [sflag:s13], $0x4000  }
0x3d: {  	[sflag:s13] =	ssyncset.done $0x0  }
0x3e: {  	s25 =	sadd.s32 $0x13C80, s25;
	[sflag:s13] =	ssyncadd.s32 $0xFFFFC000  }
0x3f: {  	[tilespmem:s19], [sflag:$0x2] =	stream.indirect.gather [hbm4b:s4+s16], $0x80, s25, s16, $0xb8;
	[tilespmem:$0x1E400] =	vst v63  }
0x40: {  	_ =	swait.ge [sflag:s20], $0x4000  }
0x41: {  	[sflag:s20] =	ssyncset.done $0x0  }
0x42: {  	[sflag:s20] =	ssyncadd.s32 $0xFFFFC000  }
0x43: {  	[spmem:s2] =	stream.indirect.scatter.add.f32 [tilespmem:s17], [sflag:$0x3], $0x80, s22, s16, $0xb8;
	[tilespmem:$0x1E400] =	vst v63  }
0x44: {  	_ =	swait.ge [sflag:s13], $0x4000  }
0x45: {  	[sflag:s13] =	ssyncset.done $0x0  }
0x46: {  	[sflag:s13] =	ssyncadd.s32 $0xFFFFC000  }
0x47: {  	_ =	swait.ge [sflag:s21], $0x4000  }
0x48: {  	[sflag:s21] =	ssyncset.done $0x0  }
0x49: {  	[sflag:s21] =	ssyncadd.s32 $0xFFFFC000  }
0x4a: {  	[spmem:s2] =	stream.indirect.scatter.add.f32 [tilespmem:s19], [sflag:$0x3], $0x80, s23, s16, $0xb8;
	[tilespmem:$0x1E400] =	vst v63  }
0x4b: {  	_ =	swait.ge [sflag:s13], $0x4000  }
0x4c: {  	[sflag:s13] =	ssyncset.done $0x0  }
0x4d: {  	[sflag:s13] =	ssyncadd.s32 $0xFFFFC000  }
0x4e: {  	[tilespmem:s12], [sflag:$0x3] =	stream.strided.gather [hbm4b:s7+s10], $0x2800, s11, s10, $0x38;
	[tilespmem:$0x1E400] =	vst v63  }
0x4f: {  	_ =	swait.ge [sflag:s13], $0x2800  }
0x50: {  	[sflag:s13] =	ssyncset.done $0x0  }
0x51: {  	[sflag:s13] =	ssyncadd.s32 $0xFFFFD800  }
0x52: {  	[tilespmem:s17], [sflag:$0x1] =	stream.indirect.gather [hbm4b:s4+s16], $0x80, s12, s16, $0xb8;
	[tilespmem:$0x1E400] =	vst v63  }
0x53: {  	_ = 	snop  }
0x54: {  	[tilespmem:s19], [sflag:$0x2] =	stream.indirect.gather [hbm4b:s4+s16], $0x80, s18, s16, $0xb8;
	[tilespmem:$0x1E400] =	vst v63  }
0x55: {  	_ =	swait.ge [sflag:s20], $0x4000  }
0x56: {  	[sflag:s20] =	ssyncset.done $0x0  }
0x57: {  	s24 =	simm.s32 $0x15000;
	[sflag:s20] =	ssyncadd.s32 $0xFFFFC000  }
0x58: {  	[spmem:s2] =	stream.indirect.scatter.add.f32 [tilespmem:s17], [sflag:$0x3], $0x80, s24, s16, $0xb8;
	[tilespmem:$0x1E400] =	vst v63  }
0x59: {  	_ =	swait.ge [sflag:s13], $0x4000  }
0x5a: {  	[sflag:s13] =	ssyncset.done $0x0  }
0x5b: {  	s30 =	simm.s32 $0x13D00;
	[sflag:s13] =	ssyncadd.s32 $0xFFFFC000  }
0x5c: {  	[tilespmem:s17], [sflag:$0x1] =	stream.indirect.gather [hbm4b:s4+s16], $0x80, s30, s16, $0xb8;
	[tilespmem:$0x1E400] =	vst v63  }
0x5d: {  	_ =	swait.ge [sflag:s21], $0x4000  }
0x5e: {  	[sflag:s21] =	ssyncset.done $0x0  }
0x5f: {  	s31 =	simm.s32 $0x15080;
	[sflag:s21] =	ssyncadd.s32 $0xFFFFC000  }
0x60: {  	[spmem:s2] =	stream.indirect.scatter.add.f32 [tilespmem:s19], [sflag:$0x3], $0x80, s31, s16, $0xb8;
	[tilespmem:$0x1E400] =	vst v63  }
0x61: {  	_ =	swait.ge [sflag:s13], $0x4000  }
0x62: {  	[sflag:s13] =	ssyncset.done $0x0  }
0x63: {  	s25 =	simm.s32 $0x13D80;
	s24 =	simm.s32 $0x800;
	[sflag:s13] =	ssyncadd.s32 $0xFFFFC000  }
.LBB2_4:
0x64: {  	[tilespmem:s19], [sflag:$0x2] =	stream.indirect.gather [hbm4b:s4+s16], $0x80, s25, s16, $0xb8;
	[tilespmem:$0x1E400] =	vst v63  }
0x65: {  	s25 =	smov.u32 s24  }
0x66: {  	p0 =	sne.s32 s24, $0x4C00;
	s24 =	sadd.s32 $0x400, s24;
	_ =	swait.ge [sflag:s20], $0x4000  }
0x67: {  	s25 =	sshra.s32 s25, $0x2;
	[sflag:s20] =	ssyncset.done $0x0  }
0x68: {  	s26 =	sadd.s32 $0x14F00, s25;
	[sflag:s20] =	ssyncadd.s32 $0xFFFFC000  }
0x69: {  	[spmem:s2] =	stream.indirect.scatter.add.f32 [tilespmem:s17], [sflag:$0x3], $0x80, s26, s16, $0xb8;
	[tilespmem:$0x1E400] =	vst v63  }
0x6a: {  	_ =	swait.ge [sflag:s13], $0x4000  }
0x6b: {  	[sflag:s13] =	ssyncset.done $0x0  }
0x6c: {  	s26 =	sadd.s32 $0x13C00, s25;
	[sflag:s13] =	ssyncadd.s32 $0xFFFFC000  }
0x6d: {  	[tilespmem:s17], [sflag:$0x1] =	stream.indirect.gather [hbm4b:s4+s16], $0x80, s26, s16, $0xb8;
	[tilespmem:$0x1E400] =	vst v63  }
0x6e: {  	_ =	swait.ge [sflag:s21], $0x4000  }
0x6f: {  	[sflag:s21] =	ssyncset.done $0x0  }
.Ltmp1:
0x70: {  	s26 =	sadd.s32 $0x14F80, s25;
	[sflag:s21] =	ssyncadd.s32 $0xFFFFC000;
	(pc) =	sbr.rel @p0 .LBB2_4-.Ltmp1, $4  }
0x71: {  	[spmem:s2] =	stream.indirect.scatter.add.f32 [tilespmem:s19], [sflag:$0x3], $0x80, s26, s16, $0xb8;
	[tilespmem:$0x1E400] =	vst v63  }
0x72: {  	_ =	swait.ge [sflag:s13], $0x4000  }
0x73: {  	[sflag:s13] =	ssyncset.done $0x0  }
0x74: {  	s25 =	sadd.s32 $0x13C80, s25;
	[sflag:s13] =	ssyncadd.s32 $0xFFFFC000  }
0x75: {  	[tilespmem:s19], [sflag:$0x2] =	stream.indirect.gather [hbm4b:s4+s16], $0x80, s25, s16, $0xb8;
	[tilespmem:$0x1E400] =	vst v63  }
0x76: {  	_ =	swait.ge [sflag:s20], $0x4000  }
0x77: {  	[sflag:s20] =	ssyncset.done $0x0  }
0x78: {  	[sflag:s20] =	ssyncadd.s32 $0xFFFFC000  }
0x79: {  	[spmem:s2] =	stream.indirect.scatter.add.f32 [tilespmem:s17], [sflag:$0x3], $0x80, s22, s16, $0xb8;
	[tilespmem:$0x1E400] =	vst v63  }
0x7a: {  	_ =	swait.ge [sflag:s13], $0x4000  }
0x7b: {  	[sflag:s13] =	ssyncset.done $0x0  }
0x7c: {  	[sflag:s13] =	ssyncadd.s32 $0xFFFFC000  }
0x7d: {  	_ =	swait.ge [sflag:s21], $0x4000  }
0x7e: {  	[sflag:s21] =	ssyncset.done $0x0  }
0x7f: {  	[sflag:s21] =	ssyncadd.s32 $0xFFFFC000  }
0x80: {  	[spmem:s2] =	stream.indirect.scatter.add.f32 [tilespmem:s19], [sflag:$0x3], $0x80, s23, s16, $0xb8;
	[tilespmem:$0x1E400] =	vst v63  }
0x81: {  	_ =	swait.ge [sflag:s13], $0x4000  }
0x82: {  	s3 =	sadd.s32 $0x1, s3;
	[sflag:s13] =	ssyncset.done $0x0  }
0x83: {  	p0 =	sne.s32 s3, s9;
	[sflag:s13] =	ssyncadd.s32 $0xFFFFC000  }
.Ltmp2:
0x84: {  	[bflag:$0x0] =	sbarrier.arrive $0xFFFF;
	(pc) =	sbr.rel @p0 .LBB2_1-.Ltmp2, $4  }
0x85: {  	[hbm:s8], [sflag:s14] =	dma.local [spmem:s15], $0x2780  }
0x86: {  	_ =	swait.ge [sflag:s13], $0x2780  }
0x87: {  	[sflag:s13] =	ssyncset.done $0x0  }
0x88: {  	[sflag:s13] =	ssyncadd.s32 $0xFFFFD880  }
0x89: {  	_ =	sfence.sel $0x180000  }
0x8a: {  	[bflag:$0x0] =	sbarrier.arrive $0xFFFF  }
0x8b: {  	p0 =	sne.s32 s1, $0x0;
	_ =	strace $0x9000004A  }
0x8c: {  	s0 =	sadd.s32 @!p0 $0x100000, s0;
	[bflag:$0x2] =	sbarrier.arrive $0xFFFF  }
0x8d: {  	[sflag:s0] =	ssyncadd.tile.s32 @!p0 $0x1;
	_ =	shalt  }
.Lfunc_end2:
_tile_overlayer_lowered:
.L_overlay_start_2:
0x8e: {  	(tag) =	ssettag $0x2  }
0x8f: {  	s0 =	rddreg [dreg:$0x0];
	s2 =	stileid.u32  }
0x90: {  	s1 =	rddreg [dreg:$0x1];
	p0 =	sne.s32 s2, $0x0  }
0x91: {  	s3 =	rddreg [dreg:$0x2];
	[bflag:$0x3] =	sbarrier.arrive $0xFFFF;
	s2 =	simm.s32 @!p0 $0x1C03  }
0x92: {  	[timem:s3], [sflag:s2] =	dma.local @!p0 [hbm:s0], s1  }
0x93: {  	s0 =	simm.s32 @!p0 $0x3  }
0x94: {  	_ =	swait.ge @!p0 [sflag:s0], s1  }
0x95: {  	s1 =	ssub.s32 @!p0 $0x0, s1;
	[sflag:s0] =	ssyncset.done @!p0 $0x0  }
0x96: {  	[sflag:s0] =	ssyncadd.s32 @!p0 s1  }
0x97: {  	[bflag:$0x3] =	sbarrier.arrive $0xFFFF  }
0x98: {  	_ =	shalt  }

</sc_bundles>
